<compile_context>
chip_gen: v7x
topology: tpu7x:2x2x1
jax: 0.10.2.dev20260603
libtpu: 0.0.44.dev20260713+nightly
codegen_flags: <defaults>
</compile_context>

<pallas_src>
import jax
import jax.numpy as jnp
from jax import lax
from jax.experimental import pallas as pl
from jax.experimental.pallas import tpu as pltpu
from jax.experimental.pallas import tpu_sc as plsc

BATCH = 16384
EMBED_K = 32
NUM_CORES = 2
NUM_SUBCORES = 16
NUM_WORKERS = NUM_CORES * NUM_SUBCORES
PER_WORKER = BATCH // NUM_WORKERS
CHUNK = 128
NUM_CHUNKS = PER_WORKER // CHUNK
LANES = 16
NUM_GROUPS = PER_WORKER // LANES
RING = 6


def _sc_body(w_hbm, h_hbm, u_hbm, v_hbm, out_hbm,
             u_vm, v_vm, ru, rv, pp, out_v, sem):
    wid = lax.axis_index("c") * NUM_SUBCORES + lax.axis_index("s")
    base = wid * PER_WORKER

    pltpu.sync_copy(u_hbm.at[wid], u_vm.at[pl.ds(0, PER_WORKER)])
    pltpu.sync_copy(v_hbm.at[wid], v_vm.at[pl.ds(0, PER_WORKER)])

    kidx = lax.iota(jnp.int32, LANES)

    def fire(p, slot):
        uu = u_vm[pl.ds(p, LANES)][0]
        vv = v_vm[pl.ds(p, LANES)][0]
        ub = lax.shift_left(lax.shift_right_logical(uu, 7), 7)
        vb = lax.shift_left(lax.shift_right_logical(vv, 7), 7)
        pltpu.async_copy(
            w_hbm.at[:, pl.ds(pl.multiple_of(ub, CHUNK), CHUNK)],
            ru.at[slot], sem)
        pltpu.async_copy(
            h_hbm.at[:, pl.ds(pl.multiple_of(vb, CHUNK), CHUNK)],
            rv.at[slot], sem)

    def drain_one(slot):
        pltpu.make_async_copy(w_hbm.at[:, pl.ds(0, CHUNK)],
                              ru.at[slot], sem).wait()
        pltpu.make_async_copy(h_hbm.at[:, pl.ds(0, CHUNK)],
                              rv.at[slot], sem).wait()

    for p in range(RING):
        fire(p, p)

    def step(p, carry):
        slot = lax.rem(p, RING)
        uu = u_vm[pl.ds(p, LANES)][0]
        vv = v_vm[pl.ds(p, LANES)][0]
        ucol = jnp.full((LANES,), lax.bitwise_and(uu, CHUNK - 1), jnp.int32)
        vcol = jnp.full((LANES,), lax.bitwise_and(vv, CHUNK - 1), jnp.int32)
        sfull = jnp.full((LANES,), slot, jnp.int32)
        drain_one(slot)
        ulo = plsc.load_gather(ru, [sfull, kidx, ucol])
        uhi = plsc.load_gather(ru, [sfull, kidx + LANES, ucol])
        vlo = plsc.load_gather(rv, [sfull, kidx, vcol])
        vhi = plsc.load_gather(rv, [sfull, kidx + LANES, vcol])

        @pl.when(p < PER_WORKER - RING)
        def _():
            fire(p + RING, slot)

        pp[p, pl.ds(0, LANES)] = ulo * vlo + uhi * vhi
        return carry

    lax.fori_loop(0, PER_WORKER, step, 0, unroll=2)

    lane = lax.iota(jnp.int32, LANES)

    def group(g, carry):
        rows = lane + g * LANES
        acc = jnp.zeros((LANES,), jnp.float32)
        for j in range(LANES):
            col = jnp.full((LANES,), j, jnp.int32)
            acc = acc + plsc.load_gather(pp, [rows, col])
        res = 1.0 / (1.0 + jnp.exp(-acc))
        out_v[pl.ds(pl.multiple_of(g * LANES, LANES), LANES)] = res
        return carry

    lax.fori_loop(0, NUM_GROUPS, group, 0, unroll=2)

    pltpu.sync_copy(out_v, out_hbm.at[pl.ds(base, PER_WORKER)])


@jax.jit
def kernel(x, W, H):
    u = x[:, 0].astype(jnp.int32).reshape(NUM_WORKERS, PER_WORKER)
    v = x[:, 1].astype(jnp.int32).reshape(NUM_WORKERS, PER_WORKER)
    mesh = plsc.VectorSubcoreMesh(core_axis_name="c", subcore_axis_name="s")
    run = pl.kernel(
        _sc_body,
        out_type=jax.ShapeDtypeStruct((BATCH,), jnp.float32),
        mesh=mesh,
        scratch_types=[
            pltpu.VMEM((PER_WORKER + LANES,), jnp.int32),
            pltpu.VMEM((PER_WORKER + LANES,), jnp.int32),
            pltpu.VMEM((RING, EMBED_K, CHUNK), jnp.float32),
            pltpu.VMEM((RING, EMBED_K, CHUNK), jnp.float32),
            pltpu.VMEM((PER_WORKER, LANES), jnp.float32),
            pltpu.VMEM((PER_WORKER,), jnp.float32),
            pltpu.SemaphoreType.DMA,
        ],
        compiler_params=pltpu.CompilerParams(needs_layout_passes=False),
    )
    return run(W.T, H.T, u, v)

# --- scband reference (transcript-rebuilt; emitter-appended) ---
"""Pipeline reference for scband-mf-base-model-4750233829553 (READ-ONLY COPY).

The authoritative reference and input builder live on the scoring server;
editing this copy changes nothing except your own understanding.
"""

import jax, jax.numpy as jnp
import numpy as np

NUM_USERS = 1000000
NUM_ITEMS = 1000000
EMBED_K = 32
BATCH = 16384

def setup_inputs(seed: int = 0) -> dict:
    key = jax.random.key(seed)
    k1, k2, k3 = jax.random.split(key, 3)
    x = jax.random.randint(k1, (BATCH, 2), 0, NUM_USERS, dtype=jnp.int64) if jax.config.jax_enable_x64 else jax.random.randint(k1, (BATCH, 2), 0, NUM_USERS, dtype=jnp.int32)
    W = jax.random.normal(k2, (NUM_USERS, EMBED_K), dtype=jnp.float32)
    H = jax.random.normal(k3, (NUM_ITEMS, EMBED_K), dtype=jnp.float32)
    return {"x": x, "W": W, "H": H}

def reference(x, W, H):
    user_idx = x[:, 0]
    item_idx = x[:, 1]
    U_emb = jnp.take(W, user_idx, axis=0)
    V_emb = jnp.take(H, item_idx, axis=0)
    out = jax.nn.sigmoid(jnp.sum(U_emb * V_emb, axis=1))
    return out

if __name__ == "__main__":
    import jax
    _d = setup_inputs()
    print(jax.jit(kernel)(*tuple(_d.values())))

</pallas_src>

<mosaic_0001>
#map = affine_map<(d0, d1) -> (0, 0)>
#map1 = affine_map<(d0, d1) -> (0)>
module attributes {stable_mosaic.version = 14 : i64} {
  func.func @_sc_body(%arg0: i32, %arg1: i32, %arg2: memref<32x1000000xf32, #tpu.memory_space<hbm>>, %arg3: memref<32x1000000xf32, #tpu.memory_space<hbm>>, %arg4: memref<32x512xi32, #tpu.memory_space<hbm>>, %arg5: memref<32x512xi32, #tpu.memory_space<hbm>>, %arg6: memref<16384xf32, #tpu.memory_space<hbm>>, %arg7: memref<528xi32, #tpu.memory_space<vmem>>, %arg8: memref<528xi32, #tpu.memory_space<vmem>>, %arg9: memref<6x32x128xf32, #tpu.memory_space<vmem>>, %arg10: memref<6x32x128xf32, #tpu.memory_space<vmem>>, %arg11: memref<512x16xf32, #tpu.memory_space<vmem>>, %arg12: memref<512xf32, #tpu.memory_space<vmem>>, %arg13: memref<!tpu.dma_semaphore, #tpu.memory_space<semaphore_mem>>) attributes {dimension_semantics = [#tpu.dimension_semantics<core_parallel>, #tpu.dimension_semantics<subcore_parallel>], iteration_bounds = array<i64: 2, 16>, scalar_prefetch = 0 : i64, scratch_operands = 7 : i64, tpu.core_type = #tpu.core_type<sc_vector_subcore>, window_params = [{transform_indices = #map}, {transform_indices = #map}, {transform_indices = #map}, {transform_indices = #map}, {transform_indices = #map1}]} {
    %mul3A = arith.constant 16 : i32
    %mul3A_0 = arith.muli %arg0, %mul3A : i32
    %add3A = arith.addi %mul3A_0, %arg1 : i32
    %mul3A_1 = arith.constant 512 : i32
    %mul3A_2 = arith.muli %add3A, %mul3A_1 : i32
    "tpu.region"() ({
      %run_scoped3A = tpu.sem_alloc : memref<!tpu.dma_semaphore, #tpu.memory_space<semaphore_mem>>
      %dma_start3A_272 = arith.constant 0 : i32
      %dma_start3A_273 = tpu.memref_slice %arg7[%dma_start3A_272] : memref<528xi32, #tpu.memory_space<vmem>> -> memref<512xi32, #tpu.memory_space<vmem>>
      %dma_start3A_274 = arith.constant 0 : i32
      %dma_start3A_275 = tpu.memref_slice %arg4[%add3A, %dma_start3A_274] : memref<32x512xi32, #tpu.memory_space<hbm>> -> memref<1x512xi32, #tpu.memory_space<hbm>>
      %dma_start3A_276 = tpu.memref_squeeze %dma_start3A_275 : memref<1x512xi32, #tpu.memory_space<hbm>> -> memref<512xi32, #tpu.memory_space<hbm>>
      %dma_start3A_277 = arith.constant 0 : i32
      %dma_start3A_278 = tpu.memref_slice %arg7[%dma_start3A_277] : memref<528xi32, #tpu.memory_space<vmem>> -> memref<512xi32, #tpu.memory_space<vmem>>
      %dma_start3A_279 = arith.constant 0 : i32
      %dma_start3A_280 = tpu.memref_slice %arg4[%add3A, %dma_start3A_279] : memref<32x512xi32, #tpu.memory_space<hbm>> -> memref<1x512xi32, #tpu.memory_space<hbm>>
      %dma_start3A_281 = tpu.memref_squeeze %dma_start3A_280 : memref<1x512xi32, #tpu.memory_space<hbm>> -> memref<512xi32, #tpu.memory_space<hbm>>
      tpu.enqueue_dma source(%dma_start3A_281 : memref<512xi32, #tpu.memory_space<hbm>>) target(%dma_start3A_278 : memref<512xi32, #tpu.memory_space<vmem>>) target_semaphore(%run_scoped3A : memref<!tpu.dma_semaphore, #tpu.memory_space<semaphore_mem>>)
      %dma_wait3A = arith.constant 0 : i32
      %dma_wait3A_282 = tpu.memref_slice %arg7[%dma_wait3A] : memref<528xi32, #tpu.memory_space<vmem>> -> memref<512xi32, #tpu.memory_space<vmem>>
      %dma_wait3A_283 = arith.constant 0 : i32
      %dma_wait3A_284 = tpu.memref_slice %arg4[%add3A, %dma_wait3A_283] : memref<32x512xi32, #tpu.memory_space<hbm>> -> memref<1x512xi32, #tpu.memory_space<hbm>>
      %dma_wait3A_285 = tpu.memref_squeeze %dma_wait3A_284 : memref<1x512xi32, #tpu.memory_space<hbm>> -> memref<512xi32, #tpu.memory_space<hbm>>
      %dma_wait3A_286 = arith.constant 0 : i32
      %dma_wait3A_287 = tpu.memref_slice %arg7[%dma_wait3A_286] : memref<528xi32, #tpu.memory_space<vmem>> -> memref<512xi32, #tpu.memory_space<vmem>>
      %dma_wait3A_288 = arith.constant 0 : i32
      %dma_wait3A_289 = tpu.memref_slice %arg4[%add3A, %dma_wait3A_288] : memref<32x512xi32, #tpu.memory_space<hbm>> -> memref<1x512xi32, #tpu.memory_space<hbm>>
      %dma_wait3A_290 = tpu.memref_squeeze %dma_wait3A_289 : memref<1x512xi32, #tpu.memory_space<hbm>> -> memref<512xi32, #tpu.memory_space<hbm>>
      tpu.wait_dma2 semaphore(%run_scoped3A : memref<!tpu.dma_semaphore, #tpu.memory_space<semaphore_mem>>) src(%dma_wait3A_290 : memref<512xi32, #tpu.memory_space<hbm>>) dst(%dma_wait3A_287 : memref<512xi32, #tpu.memory_space<vmem>>)
      tpu.yield
    }) : () -> ()
    "tpu.region"() ({
      %run_scoped3A = tpu.sem_alloc : memref<!tpu.dma_semaphore, #tpu.memory_space<semaphore_mem>>
      %dma_start3A_272 = arith.constant 0 : i32
      %dma_start3A_273 = tpu.memref_slice %arg8[%dma_start3A_272] : memref<528xi32, #tpu.memory_space<vmem>> -> memref<512xi32, #tpu.memory_space<vmem>>
      %dma_start3A_274 = arith.constant 0 : i32
      %dma_start3A_275 = tpu.memref_slice %arg5[%add3A, %dma_start3A_274] : memref<32x512xi32, #tpu.memory_space<hbm>> -> memref<1x512xi32, #tpu.memory_space<hbm>>
      %dma_start3A_276 = tpu.memref_squeeze %dma_start3A_275 : memref<1x512xi32, #tpu.memory_space<hbm>> -> memref<512xi32, #tpu.memory_space<hbm>>
      %dma_start3A_277 = arith.constant 0 : i32
      %dma_start3A_278 = tpu.memref_slice %arg8[%dma_start3A_277] : memref<528xi32, #tpu.memory_space<vmem>> -> memref<512xi32, #tpu.memory_space<vmem>>
      %dma_start3A_279 = arith.constant 0 : i32
      %dma_start3A_280 = tpu.memref_slice %arg5[%add3A, %dma_start3A_279] : memref<32x512xi32, #tpu.memory_space<hbm>> -> memref<1x512xi32, #tpu.memory_space<hbm>>
      %dma_start3A_281 = tpu.memref_squeeze %dma_start3A_280 : memref<1x512xi32, #tpu.memory_space<hbm>> -> memref<512xi32, #tpu.memory_space<hbm>>
      tpu.enqueue_dma source(%dma_start3A_281 : memref<512xi32, #tpu.memory_space<hbm>>) target(%dma_start3A_278 : memref<512xi32, #tpu.memory_space<vmem>>) target_semaphore(%run_scoped3A : memref<!tpu.dma_semaphore, #tpu.memory_space<semaphore_mem>>)
      %dma_wait3A = arith.constant 0 : i32
      %dma_wait3A_282 = tpu.memref_slice %arg8[%dma_wait3A] : memref<528xi32, #tpu.memory_space<vmem>> -> memref<512xi32, #tpu.memory_space<vmem>>
      %dma_wait3A_283 = arith.constant 0 : i32
      %dma_wait3A_284 = tpu.memref_slice %arg5[%add3A, %dma_wait3A_283] : memref<32x512xi32, #tpu.memory_space<hbm>> -> memref<1x512xi32, #tpu.memory_space<hbm>>
      %dma_wait3A_285 = tpu.memref_squeeze %dma_wait3A_284 : memref<1x512xi32, #tpu.memory_space<hbm>> -> memref<512xi32, #tpu.memory_space<hbm>>
      %dma_wait3A_286 = arith.constant 0 : i32
      %dma_wait3A_287 = tpu.memref_slice %arg8[%dma_wait3A_286] : memref<528xi32, #tpu.memory_space<vmem>> -> memref<512xi32, #tpu.memory_space<vmem>>
      %dma_wait3A_288 = arith.constant 0 : i32
      %dma_wait3A_289 = tpu.memref_slice %arg5[%add3A, %dma_wait3A_288] : memref<32x512xi32, #tpu.memory_space<hbm>> -> memref<1x512xi32, #tpu.memory_space<hbm>>
      %dma_wait3A_290 = tpu.memref_squeeze %dma_wait3A_289 : memref<1x512xi32, #tpu.memory_space<hbm>> -> memref<512xi32, #tpu.memory_space<hbm>>
      tpu.wait_dma2 semaphore(%run_scoped3A : memref<!tpu.dma_semaphore, #tpu.memory_space<semaphore_mem>>) src(%dma_wait3A_290 : memref<512xi32, #tpu.memory_space<hbm>>) dst(%dma_wait3A_287 : memref<512xi32, #tpu.memory_space<vmem>>)
      tpu.yield
    }) : () -> ()
    %iota3A = tpu.iota {dimensions = array<i32: 0>} : vector<16xi32>
    %get3A = arith.constant 0 : index
    %get3A_3 = tpu.vector_load %arg7[%get3A] {strides = array<i32>} : memref<528xi32, #tpu.memory_space<vmem>>, vector<16xi32>,
    %slice3A = vector.extract_strided_slice %get3A_3 {offsets = [0], sizes = [1], strides = [1]} : vector<16xi32> to vector<1xi32>
    %squeeze3A = vector.extract %slice3A[0] : i32 from vector<1xi32>
    %get3A_4 = arith.constant 0 : index
    %get3A_5 = tpu.vector_load %arg8[%get3A_4] {strides = array<i32>} : memref<528xi32, #tpu.memory_space<vmem>>, vector<16xi32>,
    %slice3A_6 = vector.extract_strided_slice %get3A_5 {offsets = [0], sizes = [1], strides = [1]} : vector<16xi32> to vector<1xi32>
    %squeeze3A_7 = vector.extract %slice3A_6[0] : i32 from vector<1xi32>
    %shift_right_logical3A = arith.constant 7 : i32
    %shift_right_logical3A_8 = arith.shrui %squeeze3A, %shift_right_logical3A : i32
    %shift_left3A = arith.constant 7 : i32
    %shift_left3A_9 = arith.shli %shift_right_logical3A_8, %shift_left3A : i32
    %shift_right_logical3A_10 = arith.constant 7 : i32
    %shift_right_logical3A_11 = arith.shrui %squeeze3A_7, %shift_right_logical3A_10 : i32
    %shift_left3A_12 = arith.constant 7 : i32
    %shift_left3A_13 = arith.shli %shift_right_logical3A_11, %shift_left3A_12 : i32
    %multiple_of3A = tpu.assume_multiple %shift_left3A_9, 128 : i32
    %dma_start3A = arith.constant 0 : i32
    %dma_start3A_14 = arith.constant 0 : i32
    %dma_start3A_15 = arith.constant 0 : i32
    %dma_start3A_16 = tpu.memref_slice %arg9[%dma_start3A, %dma_start3A_14, %dma_start3A_15] : memref<6x32x128xf32, #tpu.memory_space<vmem>> -> memref<1x32x128xf32, #tpu.memory_space<vmem>>
    %dma_start3A_17 = tpu.memref_squeeze %dma_start3A_16 : memref<1x32x128xf32, #tpu.memory_space<vmem>> -> memref<32x128xf32, #tpu.memory_space<vmem>>
    %dma_start3A_18 = arith.constant 0 : i32
    %dma_start3A_19 = tpu.memref_slice %arg2[%dma_start3A_18, %multiple_of3A] : memref<32x1000000xf32, #tpu.memory_space<hbm>> -> memref<32x128xf32, #tpu.memory_space<hbm>>
    %dma_start3A_20 = arith.constant 0 : i32
    %dma_start3A_21 = arith.constant 0 : i32
    %dma_start3A_22 = tpu.memref_slice %arg9[%dma_start3A, %dma_start3A_20, %dma_start3A_21] : memref<6x32x128xf32, #tpu.memory_space<vmem>> -> memref<1x32x128xf32, #tpu.memory_space<vmem>>
    %dma_start3A_23 = tpu.memref_squeeze %dma_start3A_22 : memref<1x32x128xf32, #tpu.memory_space<vmem>> -> memref<32x128xf32, #tpu.memory_space<vmem>>
    %dma_start3A_24 = arith.constant 0 : i32
    %dma_start3A_25 = tpu.memref_slice %arg2[%dma_start3A_24, %multiple_of3A] : memref<32x1000000xf32, #tpu.memory_space<hbm>> -> memref<32x128xf32, #tpu.memory_space<hbm>>
    tpu.enqueue_dma source(%dma_start3A_25 : memref<32x128xf32, #tpu.memory_space<hbm>>) target(%dma_start3A_23 : memref<32x128xf32, #tpu.memory_space<vmem>>) target_semaphore(%arg13 : memref<!tpu.dma_semaphore, #tpu.memory_space<semaphore_mem>>)
    %multiple_of3A_26 = tpu.assume_multiple %shift_left3A_13, 128 : i32
    %dma_start3A_27 = arith.constant 0 : i32
    %dma_start3A_28 = arith.constant 0 : i32
    %dma_start3A_29 = arith.constant 0 : i32
    %dma_start3A_30 = tpu.memref_slice %arg10[%dma_start3A_27, %dma_start3A_28, %dma_start3A_29] : memref<6x32x128xf32, #tpu.memory_space<vmem>> -> memref<1x32x128xf32, #tpu.memory_space<vmem>>
    %dma_start3A_31 = tpu.memref_squeeze %dma_start3A_30 : memref<1x32x128xf32, #tpu.memory_space<vmem>> -> memref<32x128xf32, #tpu.memory_space<vmem>>
    %dma_start3A_32 = arith.constant 0 : i32
    %dma_start3A_33 = tpu.memref_slice %arg3[%dma_start3A_32, %multiple_of3A_26] : memref<32x1000000xf32, #tpu.memory_space<hbm>> -> memref<32x128xf32, #tpu.memory_space<hbm>>
    %dma_start3A_34 = arith.constant 0 : i32
    %dma_start3A_35 = arith.constant 0 : i32
    %dma_start3A_36 = tpu.memref_slice %arg10[%dma_start3A_27, %dma_start3A_34, %dma_start3A_35] : memref<6x32x128xf32, #tpu.memory_space<vmem>> -> memref<1x32x128xf32, #tpu.memory_space<vmem>>
    %dma_start3A_37 = tpu.memref_squeeze %dma_start3A_36 : memref<1x32x128xf32, #tpu.memory_space<vmem>> -> memref<32x128xf32, #tpu.memory_space<vmem>>
    %dma_start3A_38 = arith.constant 0 : i32
    %dma_start3A_39 = tpu.memref_slice %arg3[%dma_start3A_38, %multiple_of3A_26] : memref<32x1000000xf32, #tpu.memory_space<hbm>> -> memref<32x128xf32, #tpu.memory_space<hbm>>
    tpu.enqueue_dma source(%dma_start3A_39 : memref<32x128xf32, #tpu.memory_space<hbm>>) target(%dma_start3A_37 : memref<32x128xf32, #tpu.memory_space<vmem>>) target_semaphore(%arg13 : memref<!tpu.dma_semaphore, #tpu.memory_space<semaphore_mem>>)
    %get3A_40 = arith.constant 1 : index
    %get3A_41 = tpu.vector_load %arg7[%get3A_40] {strides = array<i32>} : memref<528xi32, #tpu.memory_space<vmem>>, vector<16xi32>,
    %slice3A_42 = vector.extract_strided_slice %get3A_41 {offsets = [0], sizes = [1], strides = [1]} : vector<16xi32> to vector<1xi32>
    %squeeze3A_43 = vector.extract %slice3A_42[0] : i32 from vector<1xi32>
    %get3A_44 = arith.constant 1 : index
    %get3A_45 = tpu.vector_load %arg8[%get3A_44] {strides = array<i32>} : memref<528xi32, #tpu.memory_space<vmem>>, vector<16xi32>,
    %slice3A_46 = vector.extract_strided_slice %get3A_45 {offsets = [0], sizes = [1], strides = [1]} : vector<16xi32> to vector<1xi32>
    %squeeze3A_47 = vector.extract %slice3A_46[0] : i32 from vector<1xi32>
    %shift_right_logical3A_48 = arith.constant 7 : i32
    %shift_right_logical3A_49 = arith.shrui %squeeze3A_43, %shift_right_logical3A_48 : i32
    %shift_left3A_50 = arith.constant 7 : i32
    %shift_left3A_51 = arith.shli %shift_right_logical3A_49, %shift_left3A_50 : i32
    %shift_right_logical3A_52 = arith.constant 7 : i32
    %shift_right_logical3A_53 = arith.shrui %squeeze3A_47, %shift_right_logical3A_52 : i32
    %shift_left3A_54 = arith.constant 7 : i32
    %shift_left3A_55 = arith.shli %shift_right_logical3A_53, %shift_left3A_54 : i32
    %multiple_of3A_56 = tpu.assume_multiple %shift_left3A_51, 128 : i32
    %dma_start3A_57 = arith.constant 1 : i32
    %dma_start3A_58 = arith.constant 0 : i32
    %dma_start3A_59 = arith.constant 0 : i32
    %dma_start3A_60 = tpu.memref_slice %arg9[%dma_start3A_57, %dma_start3A_58, %dma_start3A_59] : memref<6x32x128xf32, #tpu.memory_space<vmem>> -> memref<1x32x128xf32, #tpu.memory_space<vmem>>
    %dma_start3A_61 = tpu.memref_squeeze %dma_start3A_60 : memref<1x32x128xf32, #tpu.memory_space<vmem>> -> memref<32x128xf32, #tpu.memory_space<vmem>>
    %dma_start3A_62 = arith.constant 0 : i32
    %dma_start3A_63 = tpu.memref_slice %arg2[%dma_start3A_62, %multiple_of3A_56] : memref<32x1000000xf32, #tpu.memory_space<hbm>> -> memref<32x128xf32, #tpu.memory_space<hbm>>
    %dma_start3A_64 = arith.constant 0 : i32
    %dma_start3A_65 = arith.constant 0 : i32
    %dma_start3A_66 = tpu.memref_slice %arg9[%dma_start3A_57, %dma_start3A_64, %dma_start3A_65] : memref<6x32x128xf32, #tpu.memory_space<vmem>> -> memref<1x32x128xf32, #tpu.memory_space<vmem>>
    %dma_start3A_67 = tpu.memref_squeeze %dma_start3A_66 : memref<1x32x128xf32, #tpu.memory_space<vmem>> -> memref<32x128xf32, #tpu.memory_space<vmem>>
    %dma_start3A_68 = arith.constant 0 : i32
    %dma_start3A_69 = tpu.memref_slice %arg2[%dma_start3A_68, %multiple_of3A_56] : memref<32x1000000xf32, #tpu.memory_space<hbm>> -> memref<32x128xf32, #tpu.memory_space<hbm>>
    tpu.enqueue_dma source(%dma_start3A_69 : memref<32x128xf32, #tpu.memory_space<hbm>>) target(%dma_start3A_67 : memref<32x128xf32, #tpu.memory_space<vmem>>) target_semaphore(%arg13 : memref<!tpu.dma_semaphore, #tpu.memory_space<semaphore_mem>>)
    %multiple_of3A_70 = tpu.assume_multiple %shift_left3A_55, 128 : i32
    %dma_start3A_71 = arith.constant 1 : i32
    %dma_start3A_72 = arith.constant 0 : i32
    %dma_start3A_73 = arith.constant 0 : i32
    %dma_start3A_74 = tpu.memref_slice %arg10[%dma_start3A_71, %dma_start3A_72, %dma_start3A_73] : memref<6x32x128xf32, #tpu.memory_space<vmem>> -> memref<1x32x128xf32, #tpu.memory_space<vmem>>
    %dma_start3A_75 = tpu.memref_squeeze %dma_start3A_74 : memref<1x32x128xf32, #tpu.memory_space<vmem>> -> memref<32x128xf32, #tpu.memory_space<vmem>>
    %dma_start3A_76 = arith.constant 0 : i32
    %dma_start3A_77 = tpu.memref_slice %arg3[%dma_start3A_76, %multiple_of3A_70] : memref<32x1000000xf32, #tpu.memory_space<hbm>> -> memref<32x128xf32, #tpu.memory_space<hbm>>
    %dma_start3A_78 = arith.constant 0 : i32
    %dma_start3A_79 = arith.constant 0 : i32
    %dma_start3A_80 = tpu.memref_slice %arg10[%dma_start3A_71, %dma_start3A_78, %dma_start3A_79] : memref<6x32x128xf32, #tpu.memory_space<vmem>> -> memref<1x32x128xf32, #tpu.memory_space<vmem>>
    %dma_start3A_81 = tpu.memref_squeeze %dma_start3A_80 : memref<1x32x128xf32, #tpu.memory_space<vmem>> -> memref<32x128xf32, #tpu.memory_space<vmem>>
    %dma_start3A_82 = arith.constant 0 : i32
    %dma_start3A_83 = tpu.memref_slice %arg3[%dma_start3A_82, %multiple_of3A_70] : memref<32x1000000xf32, #tpu.memory_space<hbm>> -> memref<32x128xf32, #tpu.memory_space<hbm>>
    tpu.enqueue_dma source(%dma_start3A_83 : memref<32x128xf32, #tpu.memory_space<hbm>>) target(%dma_start3A_81 : memref<32x128xf32, #tpu.memory_space<vmem>>) target_semaphore(%arg13 : memref<!tpu.dma_semaphore, #tpu.memory_space<semaphore_mem>>)
    %get3A_84 = arith.constant 2 : index
    %get3A_85 = tpu.vector_load %arg7[%get3A_84] {strides = array<i32>} : memref<528xi32, #tpu.memory_space<vmem>>, vector<16xi32>,
    %slice3A_86 = vector.extract_strided_slice %get3A_85 {offsets = [0], sizes = [1], strides = [1]} : vector<16xi32> to vector<1xi32>
    %squeeze3A_87 = vector.extract %slice3A_86[0] : i32 from vector<1xi32>
    %get3A_88 = arith.constant 2 : index
    %get3A_89 = tpu.vector_load %arg8[%get3A_88] {strides = array<i32>} : memref<528xi32, #tpu.memory_space<vmem>>, vector<16xi32>,
    %slice3A_90 = vector.extract_strided_slice %get3A_89 {offsets = [0], sizes = [1], strides = [1]} : vector<16xi32> to vector<1xi32>
    %squeeze3A_91 = vector.extract %slice3A_90[0] : i32 from vector<1xi32>
    %shift_right_logical3A_92 = arith.constant 7 : i32
    %shift_right_logical3A_93 = arith.shrui %squeeze3A_87, %shift_right_logical3A_92 : i32
    %shift_left3A_94 = arith.constant 7 : i32
    %shift_left3A_95 = arith.shli %shift_right_logical3A_93, %shift_left3A_94 : i32
    %shift_right_logical3A_96 = arith.constant 7 : i32
    %shift_right_logical3A_97 = arith.shrui %squeeze3A_91, %shift_right_logical3A_96 : i32
    %shift_left3A_98 = arith.constant 7 : i32
    %shift_left3A_99 = arith.shli %shift_right_logical3A_97, %shift_left3A_98 : i32
    %multiple_of3A_100 = tpu.assume_multiple %shift_left3A_95, 128 : i32
    %dma_start3A_101 = arith.constant 2 : i32
    %dma_start3A_102 = arith.constant 0 : i32
    %dma_start3A_103 = arith.constant 0 : i32
    %dma_start3A_104 = tpu.memref_slice %arg9[%dma_start3A_101, %dma_start3A_102, %dma_start3A_103] : memref<6x32x128xf32, #tpu.memory_space<vmem>> -> memref<1x32x128xf32, #tpu.memory_space<vmem>>
    %dma_start3A_105 = tpu.memref_squeeze %dma_start3A_104 : memref<1x32x128xf32, #tpu.memory_space<vmem>> -> memref<32x128xf32, #tpu.memory_space<vmem>>
    %dma_start3A_106 = arith.constant 0 : i32
    %dma_start3A_107 = tpu.memref_slice %arg2[%dma_start3A_106, %multiple_of3A_100] : memref<32x1000000xf32, #tpu.memory_space<hbm>> -> memref<32x128xf32, #tpu.memory_space<hbm>>
    %dma_start3A_108 = arith.constant 0 : i32
    %dma_start3A_109 = arith.constant 0 : i32
    %dma_start3A_110 = tpu.memref_slice %arg9[%dma_start3A_101, %dma_start3A_108, %dma_start3A_109] : memref<6x32x128xf32, #tpu.memory_space<vmem>> -> memref<1x32x128xf32, #tpu.memory_space<vmem>>
    %dma_start3A_111 = tpu.memref_squeeze %dma_start3A_110 : memref<1x32x128xf32, #tpu.memory_space<vmem>> -> memref<32x128xf32, #tpu.memory_space<vmem>>
    %dma_start3A_112 = arith.constant 0 : i32
    %dma_start3A_113 = tpu.memref_slice %arg2[%dma_start3A_112, %multiple_of3A_100] : memref<32x1000000xf32, #tpu.memory_space<hbm>> -> memref<32x128xf32, #tpu.memory_space<hbm>>
    tpu.enqueue_dma source(%dma_start3A_113 : memref<32x128xf32, #tpu.memory_space<hbm>>) target(%dma_start3A_111 : memref<32x128xf32, #tpu.memory_space<vmem>>) target_semaphore(%arg13 : memref<!tpu.dma_semaphore, #tpu.memory_space<semaphore_mem>>)
    %multiple_of3A_114 = tpu.assume_multiple %shift_left3A_99, 128 : i32
    %dma_start3A_115 = arith.constant 2 : i32
    %dma_start3A_116 = arith.constant 0 : i32
    %dma_start3A_117 = arith.constant 0 : i32
    %dma_start3A_118 = tpu.memref_slice %arg10[%dma_start3A_115, %dma_start3A_116, %dma_start3A_117] : memref<6x32x128xf32, #tpu.memory_space<vmem>> -> memref<1x32x128xf32, #tpu.memory_space<vmem>>
    %dma_start3A_119 = tpu.memref_squeeze %dma_start3A_118 : memref<1x32x128xf32, #tpu.memory_space<vmem>> -> memref<32x128xf32, #tpu.memory_space<vmem>>
    %dma_start3A_120 = arith.constant 0 : i32
    %dma_start3A_121 = tpu.memref_slice %arg3[%dma_start3A_120, %multiple_of3A_114] : memref<32x1000000xf32, #tpu.memory_space<hbm>> -> memref<32x128xf32, #tpu.memory_space<hbm>>
    %dma_start3A_122 = arith.constant 0 : i32
    %dma_start3A_123 = arith.constant 0 : i32
    %dma_start3A_124 = tpu.memref_slice %arg10[%dma_start3A_115, %dma_start3A_122, %dma_start3A_123] : memref<6x32x128xf32, #tpu.memory_space<vmem>> -> memref<1x32x128xf32, #tpu.memory_space<vmem>>
    %dma_start3A_125 = tpu.memref_squeeze %dma_start3A_124 : memref<1x32x128xf32, #tpu.memory_space<vmem>> -> memref<32x128xf32, #tpu.memory_space<vmem>>
    %dma_start3A_126 = arith.constant 0 : i32
    %dma_start3A_127 = tpu.memref_slice %arg3[%dma_start3A_126, %multiple_of3A_114] : memref<32x1000000xf32, #tpu.memory_space<hbm>> -> memref<32x128xf32, #tpu.memory_space<hbm>>
    tpu.enqueue_dma source(%dma_start3A_127 : memref<32x128xf32, #tpu.memory_space<hbm>>) target(%dma_start3A_125 : memref<32x128xf32, #tpu.memory_space<vmem>>) target_semaphore(%arg13 : memref<!tpu.dma_semaphore, #tpu.memory_space<semaphore_mem>>)
    %get3A_128 = arith.constant 3 : index
    %get3A_129 = tpu.vector_load %arg7[%get3A_128] {strides = array<i32>} : memref<528xi32, #tpu.memory_space<vmem>>, vector<16xi32>,
    %slice3A_130 = vector.extract_strided_slice %get3A_129 {offsets = [0], sizes = [1], strides = [1]} : vector<16xi32> to vector<1xi32>
    %squeeze3A_131 = vector.extract %slice3A_130[0] : i32 from vector<1xi32>
    %get3A_132 = arith.constant 3 : index
    %get3A_133 = tpu.vector_load %arg8[%get3A_132] {strides = array<i32>} : memref<528xi32, #tpu.memory_space<vmem>>, vector<16xi32>,
    %slice3A_134 = vector.extract_strided_slice %get3A_133 {offsets = [0], sizes = [1], strides = [1]} : vector<16xi32> to vector<1xi32>
    %squeeze3A_135 = vector.extract %slice3A_134[0] : i32 from vector<1xi32>
    %shift_right_logical3A_136 = arith.constant 7 : i32
    %shift_right_logical3A_137 = arith.shrui %squeeze3A_131, %shift_right_logical3A_136 : i32
    %shift_left3A_138 = arith.constant 7 : i32
    %shift_left3A_139 = arith.shli %shift_right_logical3A_137, %shift_left3A_138 : i32
    %shift_right_logical3A_140 = arith.constant 7 : i32
    %shift_right_logical3A_141 = arith.shrui %squeeze3A_135, %shift_right_logical3A_140 : i32
    %shift_left3A_142 = arith.constant 7 : i32
    %shift_left3A_143 = arith.shli %shift_right_logical3A_141, %shift_left3A_142 : i32
    %multiple_of3A_144 = tpu.assume_multiple %shift_left3A_139, 128 : i32
    %dma_start3A_145 = arith.constant 3 : i32
    %dma_start3A_146 = arith.constant 0 : i32
    %dma_start3A_147 = arith.constant 0 : i32
    %dma_start3A_148 = tpu.memref_slice %arg9[%dma_start3A_145, %dma_start3A_146, %dma_start3A_147] : memref<6x32x128xf32, #tpu.memory_space<vmem>> -> memref<1x32x128xf32, #tpu.memory_space<vmem>>
    %dma_start3A_149 = tpu.memref_squeeze %dma_start3A_148 : memref<1x32x128xf32, #tpu.memory_space<vmem>> -> memref<32x128xf32, #tpu.memory_space<vmem>>
    %dma_start3A_150 = arith.constant 0 : i32
    %dma_start3A_151 = tpu.memref_slice %arg2[%dma_start3A_150, %multiple_of3A_144] : memref<32x1000000xf32, #tpu.memory_space<hbm>> -> memref<32x128xf32, #tpu.memory_space<hbm>>
    %dma_start3A_152 = arith.constant 0 : i32
    %dma_start3A_153 = arith.constant 0 : i32
    %dma_start3A_154 = tpu.memref_slice %arg9[%dma_start3A_145, %dma_start3A_152, %dma_start3A_153] : memref<6x32x128xf32, #tpu.memory_space<vmem>> -> memref<1x32x128xf32, #tpu.memory_space<vmem>>
    %dma_start3A_155 = tpu.memref_squeeze %dma_start3A_154 : memref<1x32x128xf32, #tpu.memory_space<vmem>> -> memref<32x128xf32, #tpu.memory_space<vmem>>
    %dma_start3A_156 = arith.constant 0 : i32
    %dma_start3A_157 = tpu.memref_slice %arg2[%dma_start3A_156, %multiple_of3A_144] : memref<32x1000000xf32, #tpu.memory_space<hbm>> -> memref<32x128xf32, #tpu.memory_space<hbm>>
    tpu.enqueue_dma source(%dma_start3A_157 : memref<32x128xf32, #tpu.memory_space<hbm>>) target(%dma_start3A_155 : memref<32x128xf32, #tpu.memory_space<vmem>>) target_semaphore(%arg13 : memref<!tpu.dma_semaphore, #tpu.memory_space<semaphore_mem>>)
    %multiple_of3A_158 = tpu.assume_multiple %shift_left3A_143, 128 : i32
    %dma_start3A_159 = arith.constant 3 : i32
    %dma_start3A_160 = arith.constant 0 : i32
    %dma_start3A_161 = arith.constant 0 : i32
    %dma_start3A_162 = tpu.memref_slice %arg10[%dma_start3A_159, %dma_start3A_160, %dma_start3A_161] : memref<6x32x128xf32, #tpu.memory_space<vmem>> -> memref<1x32x128xf32, #tpu.memory_space<vmem>>
    %dma_start3A_163 = tpu.memref_squeeze %dma_start3A_162 : memref<1x32x128xf32, #tpu.memory_space<vmem>> -> memref<32x128xf32, #tpu.memory_space<vmem>>
    %dma_start3A_164 = arith.constant 0 : i32
    %dma_start3A_165 = tpu.memref_slice %arg3[%dma_start3A_164, %multiple_of3A_158] : memref<32x1000000xf32, #tpu.memory_space<hbm>> -> memref<32x128xf32, #tpu.memory_space<hbm>>
    %dma_start3A_166 = arith.constant 0 : i32
    %dma_start3A_167 = arith.constant 0 : i32
    %dma_start3A_168 = tpu.memref_slice %arg10[%dma_start3A_159, %dma_start3A_166, %dma_start3A_167] : memref<6x32x128xf32, #tpu.memory_space<vmem>> -> memref<1x32x128xf32, #tpu.memory_space<vmem>>
    %dma_start3A_169 = tpu.memref_squeeze %dma_start3A_168 : memref<1x32x128xf32, #tpu.memory_space<vmem>> -> memref<32x128xf32, #tpu.memory_space<vmem>>
    %dma_start3A_170 = arith.constant 0 : i32
    %dma_start3A_171 = tpu.memref_slice %arg3[%dma_start3A_170, %multiple_of3A_158] : memref<32x1000000xf32, #tpu.memory_space<hbm>> -> memref<32x128xf32, #tpu.memory_space<hbm>>
    tpu.enqueue_dma source(%dma_start3A_171 : memref<32x128xf32, #tpu.memory_space<hbm>>) target(%dma_start3A_169 : memref<32x128xf32, #tpu.memory_space<vmem>>) target_semaphore(%arg13 : memref<!tpu.dma_semaphore, #tpu.memory_space<semaphore_mem>>)
    %get3A_172 = arith.constant 4 : index
    %get3A_173 = tpu.vector_load %arg7[%get3A_172] {strides = array<i32>} : memref<528xi32, #tpu.memory_space<vmem>>, vector<16xi32>,
    %slice3A_174 = vector.extract_strided_slice %get3A_173 {offsets = [0], sizes = [1], strides = [1]} : vector<16xi32> to vector<1xi32>
    %squeeze3A_175 = vector.extract %slice3A_174[0] : i32 from vector<1xi32>
    %get3A_176 = arith.constant 4 : index
    %get3A_177 = tpu.vector_load %arg8[%get3A_176] {strides = array<i32>} : memref<528xi32, #tpu.memory_space<vmem>>, vector<16xi32>,
    %slice3A_178 = vector.extract_strided_slice %get3A_177 {offsets = [0], sizes = [1], strides = [1]} : vector<16xi32> to vector<1xi32>
    %squeeze3A_179 = vector.extract %slice3A_178[0] : i32 from vector<1xi32>
    %shift_right_logical3A_180 = arith.constant 7 : i32
    %shift_right_logical3A_181 = arith.shrui %squeeze3A_175, %shift_right_logical3A_180 : i32
    %shift_left3A_182 = arith.constant 7 : i32
    %shift_left3A_183 = arith.shli %shift_right_logical3A_181, %shift_left3A_182 : i32
    %shift_right_logical3A_184 = arith.constant 7 : i32
    %shift_right_logical3A_185 = arith.shrui %squeeze3A_179, %shift_right_logical3A_184 : i32
    %shift_left3A_186 = arith.constant 7 : i32
    %shift_left3A_187 = arith.shli %shift_right_logical3A_185, %shift_left3A_186 : i32
    %multiple_of3A_188 = tpu.assume_multiple %shift_left3A_183, 128 : i32
    %dma_start3A_189 = arith.constant 4 : i32
    %dma_start3A_190 = arith.constant 0 : i32
    %dma_start3A_191 = arith.constant 0 : i32
    %dma_start3A_192 = tpu.memref_slice %arg9[%dma_start3A_189, %dma_start3A_190, %dma_start3A_191] : memref<6x32x128xf32, #tpu.memory_space<vmem>> -> memref<1x32x128xf32, #tpu.memory_space<vmem>>
    %dma_start3A_193 = tpu.memref_squeeze %dma_start3A_192 : memref<1x32x128xf32, #tpu.memory_space<vmem>> -> memref<32x128xf32, #tpu.memory_space<vmem>>
    %dma_start3A_194 = arith.constant 0 : i32
    %dma_start3A_195 = tpu.memref_slice %arg2[%dma_start3A_194, %multiple_of3A_188] : memref<32x1000000xf32, #tpu.memory_space<hbm>> -> memref<32x128xf32, #tpu.memory_space<hbm>>
    %dma_start3A_196 = arith.constant 0 : i32
    %dma_start3A_197 = arith.constant 0 : i32
    %dma_start3A_198 = tpu.memref_slice %arg9[%dma_start3A_189, %dma_start3A_196, %dma_start3A_197] : memref<6x32x128xf32, #tpu.memory_space<vmem>> -> memref<1x32x128xf32, #tpu.memory_space<vmem>>
    %dma_start3A_199 = tpu.memref_squeeze %dma_start3A_198 : memref<1x32x128xf32, #tpu.memory_space<vmem>> -> memref<32x128xf32, #tpu.memory_space<vmem>>
    %dma_start3A_200 = arith.constant 0 : i32
    %dma_start3A_201 = tpu.memref_slice %arg2[%dma_start3A_200, %multiple_of3A_188] : memref<32x1000000xf32, #tpu.memory_space<hbm>> -> memref<32x128xf32, #tpu.memory_space<hbm>>
    tpu.enqueue_dma source(%dma_start3A_201 : memref<32x128xf32, #tpu.memory_space<hbm>>) target(%dma_start3A_199 : memref<32x128xf32, #tpu.memory_space<vmem>>) target_semaphore(%arg13 : memref<!tpu.dma_semaphore, #tpu.memory_space<semaphore_mem>>)
    %multiple_of3A_202 = tpu.assume_multiple %shift_left3A_187, 128 : i32
    %dma_start3A_203 = arith.constant 4 : i32
    %dma_start3A_204 = arith.constant 0 : i32
    %dma_start3A_205 = arith.constant 0 : i32
    %dma_start3A_206 = tpu.memref_slice %arg10[%dma_start3A_203, %dma_start3A_204, %dma_start3A_205] : memref<6x32x128xf32, #tpu.memory_space<vmem>> -> memref<1x32x128xf32, #tpu.memory_space<vmem>>
    %dma_start3A_207 = tpu.memref_squeeze %dma_start3A_206 : memref<1x32x128xf32, #tpu.memory_space<vmem>> -> memref<32x128xf32, #tpu.memory_space<vmem>>
    %dma_start3A_208 = arith.constant 0 : i32
    %dma_start3A_209 = tpu.memref_slice %arg3[%dma_start3A_208, %multiple_of3A_202] : memref<32x1000000xf32, #tpu.memory_space<hbm>> -> memref<32x128xf32, #tpu.memory_space<hbm>>
    %dma_start3A_210 = arith.constant 0 : i32
    %dma_start3A_211 = arith.constant 0 : i32
    %dma_start3A_212 = tpu.memref_slice %arg10[%dma_start3A_203, %dma_start3A_210, %dma_start3A_211] : memref<6x32x128xf32, #tpu.memory_space<vmem>> -> memref<1x32x128xf32, #tpu.memory_space<vmem>>
    %dma_start3A_213 = tpu.memref_squeeze %dma_start3A_212 : memref<1x32x128xf32, #tpu.memory_space<vmem>> -> memref<32x128xf32, #tpu.memory_space<vmem>>
    %dma_start3A_214 = arith.constant 0 : i32
    %dma_start3A_215 = tpu.memref_slice %arg3[%dma_start3A_214, %multiple_of3A_202] : memref<32x1000000xf32, #tpu.memory_space<hbm>> -> memref<32x128xf32, #tpu.memory_space<hbm>>
    tpu.enqueue_dma source(%dma_start3A_215 : memref<32x128xf32, #tpu.memory_space<hbm>>) target(%dma_start3A_213 : memref<32x128xf32, #tpu.memory_space<vmem>>) target_semaphore(%arg13 : memref<!tpu.dma_semaphore, #tpu.memory_space<semaphore_mem>>)
    %get3A_216 = arith.constant 5 : index
    %get3A_217 = tpu.vector_load %arg7[%get3A_216] {strides = array<i32>} : memref<528xi32, #tpu.memory_space<vmem>>, vector<16xi32>,
    %slice3A_218 = vector.extract_strided_slice %get3A_217 {offsets = [0], sizes = [1], strides = [1]} : vector<16xi32> to vector<1xi32>
    %squeeze3A_219 = vector.extract %slice3A_218[0] : i32 from vector<1xi32>
    %get3A_220 = arith.constant 5 : index
    %get3A_221 = tpu.vector_load %arg8[%get3A_220] {strides = array<i32>} : memref<528xi32, #tpu.memory_space<vmem>>, vector<16xi32>,
    %slice3A_222 = vector.extract_strided_slice %get3A_221 {offsets = [0], sizes = [1], strides = [1]} : vector<16xi32> to vector<1xi32>
    %squeeze3A_223 = vector.extract %slice3A_222[0] : i32 from vector<1xi32>
    %shift_right_logical3A_224 = arith.constant 7 : i32
    %shift_right_logical3A_225 = arith.shrui %squeeze3A_219, %shift_right_logical3A_224 : i32
    %shift_left3A_226 = arith.constant 7 : i32
    %shift_left3A_227 = arith.shli %shift_right_logical3A_225, %shift_left3A_226 : i32
    %shift_right_logical3A_228 = arith.constant 7 : i32
    %shift_right_logical3A_229 = arith.shrui %squeeze3A_223, %shift_right_logical3A_228 : i32
    %shift_left3A_230 = arith.constant 7 : i32
    %shift_left3A_231 = arith.shli %shift_right_logical3A_229, %shift_left3A_230 : i32
    %multiple_of3A_232 = tpu.assume_multiple %shift_left3A_227, 128 : i32
    %dma_start3A_233 = arith.constant 5 : i32
    %dma_start3A_234 = arith.constant 0 : i32
    %dma_start3A_235 = arith.constant 0 : i32
    %dma_start3A_236 = tpu.memref_slice %arg9[%dma_start3A_233, %dma_start3A_234, %dma_start3A_235] : memref<6x32x128xf32, #tpu.memory_space<vmem>> -> memref<1x32x128xf32, #tpu.memory_space<vmem>>
    %dma_start3A_237 = tpu.memref_squeeze %dma_start3A_236 : memref<1x32x128xf32, #tpu.memory_space<vmem>> -> memref<32x128xf32, #tpu.memory_space<vmem>>
    %dma_start3A_238 = arith.constant 0 : i32
    %dma_start3A_239 = tpu.memref_slice %arg2[%dma_start3A_238, %multiple_of3A_232] : memref<32x1000000xf32, #tpu.memory_space<hbm>> -> memref<32x128xf32, #tpu.memory_space<hbm>>
    %dma_start3A_240 = arith.constant 0 : i32
    %dma_start3A_241 = arith.constant 0 : i32
    %dma_start3A_242 = tpu.memref_slice %arg9[%dma_start3A_233, %dma_start3A_240, %dma_start3A_241] : memref<6x32x128xf32, #tpu.memory_space<vmem>> -> memref<1x32x128xf32, #tpu.memory_space<vmem>>
    %dma_start3A_243 = tpu.memref_squeeze %dma_start3A_242 : memref<1x32x128xf32, #tpu.memory_space<vmem>> -> memref<32x128xf32, #tpu.memory_space<vmem>>
    %dma_start3A_244 = arith.constant 0 : i32
    %dma_start3A_245 = tpu.memref_slice %arg2[%dma_start3A_244, %multiple_of3A_232] : memref<32x1000000xf32, #tpu.memory_space<hbm>> -> memref<32x128xf32, #tpu.memory_space<hbm>>
    tpu.enqueue_dma source(%dma_start3A_245 : memref<32x128xf32, #tpu.memory_space<hbm>>) target(%dma_start3A_243 : memref<32x128xf32, #tpu.memory_space<vmem>>) target_semaphore(%arg13 : memref<!tpu.dma_semaphore, #tpu.memory_space<semaphore_mem>>)
    %multiple_of3A_246 = tpu.assume_multiple %shift_left3A_231, 128 : i32
    %dma_start3A_247 = arith.constant 5 : i32
    %dma_start3A_248 = arith.constant 0 : i32
    %dma_start3A_249 = arith.constant 0 : i32
    %dma_start3A_250 = tpu.memref_slice %arg10[%dma_start3A_247, %dma_start3A_248, %dma_start3A_249] : memref<6x32x128xf32, #tpu.memory_space<vmem>> -> memref<1x32x128xf32, #tpu.memory_space<vmem>>
    %dma_start3A_251 = tpu.memref_squeeze %dma_start3A_250 : memref<1x32x128xf32, #tpu.memory_space<vmem>> -> memref<32x128xf32, #tpu.memory_space<vmem>>
    %dma_start3A_252 = arith.constant 0 : i32
    %dma_start3A_253 = tpu.memref_slice %arg3[%dma_start3A_252, %multiple_of3A_246] : memref<32x1000000xf32, #tpu.memory_space<hbm>> -> memref<32x128xf32, #tpu.memory_space<hbm>>
    %dma_start3A_254 = arith.constant 0 : i32
    %dma_start3A_255 = arith.constant 0 : i32
    %dma_start3A_256 = tpu.memref_slice %arg10[%dma_start3A_247, %dma_start3A_254, %dma_start3A_255] : memref<6x32x128xf32, #tpu.memory_space<vmem>> -> memref<1x32x128xf32, #tpu.memory_space<vmem>>
    %dma_start3A_257 = tpu.memref_squeeze %dma_start3A_256 : memref<1x32x128xf32, #tpu.memory_space<vmem>> -> memref<32x128xf32, #tpu.memory_space<vmem>>
    %dma_start3A_258 = arith.constant 0 : i32
    %dma_start3A_259 = tpu.memref_slice %arg3[%dma_start3A_258, %multiple_of3A_246] : memref<32x1000000xf32, #tpu.memory_space<hbm>> -> memref<32x128xf32, #tpu.memory_space<hbm>>
    tpu.enqueue_dma source(%dma_start3A_259 : memref<32x128xf32, #tpu.memory_space<hbm>>) target(%dma_start3A_257 : memref<32x128xf32, #tpu.memory_space<vmem>>) target_semaphore(%arg13 : memref<!tpu.dma_semaphore, #tpu.memory_space<semaphore_mem>>)
    %scan3A = arith.constant 0 : i32
    %scan3A_260 = arith.constant 0 : i32
    %scan3A_261 = arith.constant 512 : i32
    %scan3A_262 = arith.addi %scan3A_260, %scan3A_261 : i32
    %scan3A_263 = arith.constant 2 : i32
    scf.for %scan3A_272 = %scan3A_260 to %scan3A_262 step %scan3A_263  : i32 {
      %rem3A = arith.constant 6 : i32
      %rem3A_273 = arith.remsi %scan3A_272, %rem3A : i32
      %get3A_274 = arith.index_cast %scan3A_272 : i32 to index
      %get3A_275 = tpu.vector_load %arg7[%get3A_274] {strides = array<i32>} : memref<528xi32, #tpu.memory_space<vmem>>, vector<16xi32>,
      %slice3A_276 = vector.extract_strided_slice %get3A_275 {offsets = [0], sizes = [1], strides = [1]} : vector<16xi32> to vector<1xi32>
      %squeeze3A_277 = vector.extract %slice3A_276[0] : i32 from vector<1xi32>
      %get3A_278 = arith.index_cast %scan3A_272 : i32 to index
      %get3A_279 = tpu.vector_load %arg8[%get3A_278] {strides = array<i32>} : memref<528xi32, #tpu.memory_space<vmem>>, vector<16xi32>,
      %slice3A_280 = vector.extract_strided_slice %get3A_279 {offsets = [0], sizes = [1], strides = [1]} : vector<16xi32> to vector<1xi32>
      %squeeze3A_281 = vector.extract %slice3A_280[0] : i32 from vector<1xi32>
      %and3A = arith.constant 127 : i32
      %and3A_282 = arith.andi %squeeze3A_277, %and3A : i32
      %broadcast_in_dim3A = vector.broadcast %and3A_282 : i32 to vector<16xi32>
      %and3A_283 = arith.constant 127 : i32
      %and3A_284 = arith.andi %squeeze3A_281, %and3A_283 : i32
      %broadcast_in_dim3A_285 = vector.broadcast %and3A_284 : i32 to vector<16xi32>
      %broadcast_in_dim3A_286 = vector.broadcast %rem3A_273 : i32 to vector<16xi32>
      %dma_wait3A = arith.constant 0 : i32
      %dma_wait3A_287 = arith.constant 0 : i32
      %dma_wait3A_288 = tpu.memref_slice %arg9[%rem3A_273, %dma_wait3A, %dma_wait3A_287] : memref<6x32x128xf32, #tpu.memory_space<vmem>> -> memref<1x32x128xf32, #tpu.memory_space<vmem>>
      %dma_wait3A_289 = tpu.memref_squeeze %dma_wait3A_288 : memref<1x32x128xf32, #tpu.memory_space<vmem>> -> memref<32x128xf32, #tpu.memory_space<vmem>>
      %dma_wait3A_290 = arith.constant 0 : i32
      %dma_wait3A_291 = arith.constant 0 : i32
      %dma_wait3A_292 = tpu.memref_slice %arg2[%dma_wait3A_290, %dma_wait3A_291] : memref<32x1000000xf32, #tpu.memory_space<hbm>> -> memref<32x128xf32, #tpu.memory_space<hbm>>
      %dma_wait3A_293 = arith.constant 0 : i32
      %dma_wait3A_294 = arith.constant 0 : i32
      %dma_wait3A_295 = tpu.memref_slice %arg9[%rem3A_273, %dma_wait3A_293, %dma_wait3A_294] : memref<6x32x128xf32, #tpu.memory_space<vmem>> -> memref<1x32x128xf32, #tpu.memory_space<vmem>>
      %dma_wait3A_296 = tpu.memref_squeeze %dma_wait3A_295 : memref<1x32x128xf32, #tpu.memory_space<vmem>> -> memref<32x128xf32, #tpu.memory_space<vmem>>
      %dma_wait3A_297 = arith.constant 0 : i32
      %dma_wait3A_298 = arith.constant 0 : i32
      %dma_wait3A_299 = tpu.memref_slice %arg2[%dma_wait3A_297, %dma_wait3A_298] : memref<32x1000000xf32, #tpu.memory_space<hbm>> -> memref<32x128xf32, #tpu.memory_space<hbm>>
      tpu.wait_dma2 semaphore(%arg13 : memref<!tpu.dma_semaphore, #tpu.memory_space<semaphore_mem>>) src(%dma_wait3A_299 : memref<32x128xf32, #tpu.memory_space<hbm>>) dst(%dma_wait3A_296 : memref<32x128xf32, #tpu.memory_space<vmem>>)
      %dma_wait3A_300 = arith.constant 0 : i32
      %dma_wait3A_301 = arith.constant 0 : i32
      %dma_wait3A_302 = tpu.memref_slice %arg10[%rem3A_273, %dma_wait3A_300, %dma_wait3A_301] : memref<6x32x128xf32, #tpu.memory_space<vmem>> -> memref<1x32x128xf32, #tpu.memory_space<vmem>>
      %dma_wait3A_303 = tpu.memref_squeeze %dma_wait3A_302 : memref<1x32x128xf32, #tpu.memory_space<vmem>> -> memref<32x128xf32, #tpu.memory_space<vmem>>
      %dma_wait3A_304 = arith.constant 0 : i32
      %dma_wait3A_305 = arith.constant 0 : i32
      %dma_wait3A_306 = tpu.memref_slice %arg3[%dma_wait3A_304, %dma_wait3A_305] : memref<32x1000000xf32, #tpu.memory_space<hbm>> -> memref<32x128xf32, #tpu.memory_space<hbm>>
      %dma_wait3A_307 = arith.constant 0 : i32
      %dma_wait3A_308 = arith.constant 0 : i32
      %dma_wait3A_309 = tpu.memref_slice %arg10[%rem3A_273, %dma_wait3A_307, %dma_wait3A_308] : memref<6x32x128xf32, #tpu.memory_space<vmem>> -> memref<1x32x128xf32, #tpu.memory_space<vmem>>
      %dma_wait3A_310 = tpu.memref_squeeze %dma_wait3A_309 : memref<1x32x128xf32, #tpu.memory_space<vmem>> -> memref<32x128xf32, #tpu.memory_space<vmem>>
      %dma_wait3A_311 = arith.constant 0 : i32
      %dma_wait3A_312 = arith.constant 0 : i32
      %dma_wait3A_313 = tpu.memref_slice %arg3[%dma_wait3A_311, %dma_wait3A_312] : memref<32x1000000xf32, #tpu.memory_space<hbm>> -> memref<32x128xf32, #tpu.memory_space<hbm>>
      tpu.wait_dma2 semaphore(%arg13 : memref<!tpu.dma_semaphore, #tpu.memory_space<semaphore_mem>>) src(%dma_wait3A_313 : memref<32x128xf32, #tpu.memory_space<hbm>>) dst(%dma_wait3A_310 : memref<32x128xf32, #tpu.memory_space<vmem>>)
      %gather3A = tpu.vector_load_idx %arg9[%broadcast_in_dim3A_286, %iota3A, %broadcast_in_dim3A] : memref<6x32x128xf32, #tpu.memory_space<vmem>>[vector<16xi32>, vector<16xi32>, vector<16xi32>], vector<16xf32>,
      %add3A_314 = arith.constant 16 : i32
      %add3A_315 = vector.broadcast %add3A_314 : i32 to vector<16xi32>
      %add3A_316 = arith.addi %iota3A, %add3A_315 : vector<16xi32>
      %gather3A_317 = tpu.vector_load_idx %arg9[%broadcast_in_dim3A_286, %add3A_316, %broadcast_in_dim3A] : memref<6x32x128xf32, #tpu.memory_space<vmem>>[vector<16xi32>, vector<16xi32>, vector<16xi32>], vector<16xf32>,
      %gather3A_318 = tpu.vector_load_idx %arg10[%broadcast_in_dim3A_286, %iota3A, %broadcast_in_dim3A_285] : memref<6x32x128xf32, #tpu.memory_space<vmem>>[vector<16xi32>, vector<16xi32>, vector<16xi32>], vector<16xf32>,
      %add3A_319 = arith.constant 16 : i32
      %add3A_320 = vector.broadcast %add3A_319 : i32 to vector<16xi32>
      %add3A_321 = arith.addi %iota3A, %add3A_320 : vector<16xi32>
      %gather3A_322 = tpu.vector_load_idx %arg10[%broadcast_in_dim3A_286, %add3A_321, %broadcast_in_dim3A_285] : memref<6x32x128xf32, #tpu.memory_space<vmem>>[vector<16xi32>, vector<16xi32>, vector<16xi32>], vector<16xf32>,
      %lt3A = arith.constant 506 : i32
      %lt3A_323 = arith.cmpi slt, %scan3A_272, %lt3A : i32
      %convert_element_type3A = arith.extui %lt3A_323 : i1 to i32
      %cond3A = arith.constant 0 : i32
      %cond3A_324 = arith.cmpi ne, %convert_element_type3A, %cond3A : i32
      scf.if %cond3A_324 {
        %add3A_398 = arith.constant 6 : i32
        %add3A_399 = arith.addi %scan3A_272, %add3A_398 : i32
        %get3A_400 = arith.index_cast %add3A_399 : i32 to index
        %get3A_401 = tpu.vector_load %arg7[%get3A_400] {strides = array<i32>} : memref<528xi32, #tpu.memory_space<vmem>>, vector<16xi32>,
        %slice3A_402 = vector.extract_strided_slice %get3A_401 {offsets = [0], sizes = [1], strides = [1]} : vector<16xi32> to vector<1xi32>
        %squeeze3A_403 = vector.extract %slice3A_402[0] : i32 from vector<1xi32>
        %get3A_404 = arith.index_cast %add3A_399 : i32 to index
        %get3A_405 = tpu.vector_load %arg8[%get3A_404] {strides = array<i32>} : memref<528xi32, #tpu.memory_space<vmem>>, vector<16xi32>,
        %slice3A_406 = vector.extract_strided_slice %get3A_405 {offsets = [0], sizes = [1], strides = [1]} : vector<16xi32> to vector<1xi32>
        %squeeze3A_407 = vector.extract %slice3A_406[0] : i32 from vector<1xi32>
        %shift_right_logical3A_408 = arith.constant 7 : i32
        %shift_right_logical3A_409 = arith.shrui %squeeze3A_403, %shift_right_logical3A_408 : i32
        %shift_left3A_410 = arith.constant 7 : i32
        %shift_left3A_411 = arith.shli %shift_right_logical3A_409, %shift_left3A_410 : i32
        %shift_right_logical3A_412 = arith.constant 7 : i32
        %shift_right_logical3A_413 = arith.shrui %squeeze3A_407, %shift_right_logical3A_412 : i32
        %shift_left3A_414 = arith.constant 7 : i32
        %shift_left3A_415 = arith.shli %shift_right_logical3A_413, %shift_left3A_414 : i32
        %multiple_of3A_416 = tpu.assume_multiple %shift_left3A_411, 128 : i32
        %dma_start3A_417 = arith.constant 0 : i32
        %dma_start3A_418 = arith.constant 0 : i32
        %dma_start3A_419 = tpu.memref_slice %arg9[%rem3A_273, %dma_start3A_417, %dma_start3A_418] : memref<6x32x128xf32, #tpu.memory_space<vmem>> -> memref<1x32x128xf32, #tpu.memory_space<vmem>>
        %dma_start3A_420 = tpu.memref_squeeze %dma_start3A_419 : memref<1x32x128xf32, #tpu.memory_space<vmem>> -> memref<32x128xf32, #tpu.memory_space<vmem>>
        %dma_start3A_421 = arith.constant 0 : i32
        %dma_start3A_422 = tpu.memref_slice %arg2[%dma_start3A_421, %multiple_of3A_416] : memref<32x1000000xf32, #tpu.memory_space<hbm>> -> memref<32x128xf32, #tpu.memory_space<hbm>>
        %dma_start3A_423 = arith.constant 0 : i32
        %dma_start3A_424 = arith.constant 0 : i32
        %dma_start3A_425 = tpu.memref_slice %arg9[%rem3A_273, %dma_start3A_423, %dma_start3A_424] : memref<6x32x128xf32, #tpu.memory_space<vmem>> -> memref<1x32x128xf32, #tpu.memory_space<vmem>>
        %dma_start3A_426 = tpu.memref_squeeze %dma_start3A_425 : memref<1x32x128xf32, #tpu.memory_space<vmem>> -> memref<32x128xf32, #tpu.memory_space<vmem>>
        %dma_start3A_427 = arith.constant 0 : i32
        %dma_start3A_428 = tpu.memref_slice %arg2[%dma_start3A_427, %multiple_of3A_416] : memref<32x1000000xf32, #tpu.memory_space<hbm>> -> memref<32x128xf32, #tpu.memory_space<hbm>>
        tpu.enqueue_dma source(%dma_start3A_428 : memref<32x128xf32, #tpu.memory_space<hbm>>) target(%dma_start3A_426 : memref<32x128xf32, #tpu.memory_space<vmem>>) target_semaphore(%arg13 : memref<!tpu.dma_semaphore, #tpu.memory_space<semaphore_mem>>)
        %multiple_of3A_429 = tpu.assume_multiple %shift_left3A_415, 128 : i32
        %dma_start3A_430 = arith.constant 0 : i32
        %dma_start3A_431 = arith.constant 0 : i32
        %dma_start3A_432 = tpu.memref_slice %arg10[%rem3A_273, %dma_start3A_430, %dma_start3A_431] : memref<6x32x128xf32, #tpu.memory_space<vmem>> -> memref<1x32x128xf32, #tpu.memory_space<vmem>>
        %dma_start3A_433 = tpu.memref_squeeze %dma_start3A_432 : memref<1x32x128xf32, #tpu.memory_space<vmem>> -> memref<32x128xf32, #tpu.memory_space<vmem>>
        %dma_start3A_434 = arith.constant 0 : i32
        %dma_start3A_435 = tpu.memref_slice %arg3[%dma_start3A_434, %multiple_of3A_429] : memref<32x1000000xf32, #tpu.memory_space<hbm>> -> memref<32x128xf32, #tpu.memory_space<hbm>>
        %dma_start3A_436 = arith.constant 0 : i32
        %dma_start3A_437 = arith.constant 0 : i32
        %dma_start3A_438 = tpu.memref_slice %arg10[%rem3A_273, %dma_start3A_436, %dma_start3A_437] : memref<6x32x128xf32, #tpu.memory_space<vmem>> -> memref<1x32x128xf32, #tpu.memory_space<vmem>>
        %dma_start3A_439 = tpu.memref_squeeze %dma_start3A_438 : memref<1x32x128xf32, #tpu.memory_space<vmem>> -> memref<32x128xf32, #tpu.memory_space<vmem>>
        %dma_start3A_440 = arith.constant 0 : i32
        %dma_start3A_441 = tpu.memref_slice %arg3[%dma_start3A_440, %multiple_of3A_429] : memref<32x1000000xf32, #tpu.memory_space<hbm>> -> memref<32x128xf32, #tpu.memory_space<hbm>>
        tpu.enqueue_dma source(%dma_start3A_441 : memref<32x128xf32, #tpu.memory_space<hbm>>) target(%dma_start3A_439 : memref<32x128xf32, #tpu.memory_space<vmem>>) target_semaphore(%arg13 : memref<!tpu.dma_semaphore, #tpu.memory_space<semaphore_mem>>)
      } else {
      }
      %mul3A_325 = arith.mulf %gather3A, %gather3A_318 : vector<16xf32>
      %mul3A_326 = arith.mulf %gather3A_317, %gather3A_322 : vector<16xf32>
      %add3A_327 = arith.addf %mul3A_325, %mul3A_326 : vector<16xf32>
      %swap3A = arith.index_cast %scan3A_272 : i32 to index
      %swap3A_328 = arith.constant 0 : index
      %swap3A_329 = tpu.vector_load %arg11[%swap3A, %swap3A_328] {strides = array<i32>} : memref<512x16xf32, #tpu.memory_space<vmem>>, vector<16xf32>,
      tpu.vector_store %arg11[%swap3A, %swap3A_328], %add3A_327 {strides = array<i32>} : memref<512x16xf32, #tpu.memory_space<vmem>>, vector<16xf32>,
      %scan3A_330 = arith.constant 1 : i32
      %scan3A_331 = arith.addi %scan3A_272, %scan3A_330 : i32
      %rem3A_332 = arith.constant 6 : i32
      %rem3A_333 = arith.remsi %scan3A_331, %rem3A_332 : i32
      %get3A_334 = arith.index_cast %scan3A_331 : i32 to index
      %get3A_335 = tpu.vector_load %arg7[%get3A_334] {strides = array<i32>} : memref<528xi32, #tpu.memory_space<vmem>>, vector<16xi32>,
      %slice3A_336 = vector.extract_strided_slice %get3A_335 {offsets = [0], sizes = [1], strides = [1]} : vector<16xi32> to vector<1xi32>
      %squeeze3A_337 = vector.extract %slice3A_336[0] : i32 from vector<1xi32>
      %get3A_338 = arith.index_cast %scan3A_331 : i32 to index
      %get3A_339 = tpu.vector_load %arg8[%get3A_338] {strides = array<i32>} : memref<528xi32, #tpu.memory_space<vmem>>, vector<16xi32>,
      %slice3A_340 = vector.extract_strided_slice %get3A_339 {offsets = [0], sizes = [1], strides = [1]} : vector<16xi32> to vector<1xi32>
      %squeeze3A_341 = vector.extract %slice3A_340[0] : i32 from vector<1xi32>
      %and3A_342 = arith.constant 127 : i32
      %and3A_343 = arith.andi %squeeze3A_337, %and3A_342 : i32
      %broadcast_in_dim3A_344 = vector.broadcast %and3A_343 : i32 to vector<16xi32>
      %and3A_345 = arith.constant 127 : i32
      %and3A_346 = arith.andi %squeeze3A_341, %and3A_345 : i32
      %broadcast_in_dim3A_347 = vector.broadcast %and3A_346 : i32 to vector<16xi32>
      %broadcast_in_dim3A_348 = vector.broadcast %rem3A_333 : i32 to vector<16xi32>
      %dma_wait3A_349 = arith.constant 0 : i32
      %dma_wait3A_350 = arith.constant 0 : i32
      %dma_wait3A_351 = tpu.memref_slice %arg9[%rem3A_333, %dma_wait3A_349, %dma_wait3A_350] : memref<6x32x128xf32, #tpu.memory_space<vmem>> -> memref<1x32x128xf32, #tpu.memory_space<vmem>>
      %dma_wait3A_352 = tpu.memref_squeeze %dma_wait3A_351 : memref<1x32x128xf32, #tpu.memory_space<vmem>> -> memref<32x128xf32, #tpu.memory_space<vmem>>
      %dma_wait3A_353 = arith.constant 0 : i32
      %dma_wait3A_354 = arith.constant 0 : i32
      %dma_wait3A_355 = tpu.memref_slice %arg2[%dma_wait3A_353, %dma_wait3A_354] : memref<32x1000000xf32, #tpu.memory_space<hbm>> -> memref<32x128xf32, #tpu.memory_space<hbm>>
      %dma_wait3A_356 = arith.constant 0 : i32
      %dma_wait3A_357 = arith.constant 0 : i32
      %dma_wait3A_358 = tpu.memref_slice %arg9[%rem3A_333, %dma_wait3A_356, %dma_wait3A_357] : memref<6x32x128xf32, #tpu.memory_space<vmem>> -> memref<1x32x128xf32, #tpu.memory_space<vmem>>
      %dma_wait3A_359 = tpu.memref_squeeze %dma_wait3A_358 : memref<1x32x128xf32, #tpu.memory_space<vmem>> -> memref<32x128xf32, #tpu.memory_space<vmem>>
      %dma_wait3A_360 = arith.constant 0 : i32
      %dma_wait3A_361 = arith.constant 0 : i32
      %dma_wait3A_362 = tpu.memref_slice %arg2[%dma_wait3A_360, %dma_wait3A_361] : memref<32x1000000xf32, #tpu.memory_space<hbm>> -> memref<32x128xf32, #tpu.memory_space<hbm>>
      tpu.wait_dma2 semaphore(%arg13 : memref<!tpu.dma_semaphore, #tpu.memory_space<semaphore_mem>>) src(%dma_wait3A_362 : memref<32x128xf32, #tpu.memory_space<hbm>>) dst(%dma_wait3A_359 : memref<32x128xf32, #tpu.memory_space<vmem>>)
      %dma_wait3A_363 = arith.constant 0 : i32
      %dma_wait3A_364 = arith.constant 0 : i32
      %dma_wait3A_365 = tpu.memref_slice %arg10[%rem3A_333, %dma_wait3A_363, %dma_wait3A_364] : memref<6x32x128xf32, #tpu.memory_space<vmem>> -> memref<1x32x128xf32, #tpu.memory_space<vmem>>
      %dma_wait3A_366 = tpu.memref_squeeze %dma_wait3A_365 : memref<1x32x128xf32, #tpu.memory_space<vmem>> -> memref<32x128xf32, #tpu.memory_space<vmem>>
      %dma_wait3A_367 = arith.constant 0 : i32
      %dma_wait3A_368 = arith.constant 0 : i32
      %dma_wait3A_369 = tpu.memref_slice %arg3[%dma_wait3A_367, %dma_wait3A_368] : memref<32x1000000xf32, #tpu.memory_space<hbm>> -> memref<32x128xf32, #tpu.memory_space<hbm>>
      %dma_wait3A_370 = arith.constant 0 : i32
      %dma_wait3A_371 = arith.constant 0 : i32
      %dma_wait3A_372 = tpu.memref_slice %arg10[%rem3A_333, %dma_wait3A_370, %dma_wait3A_371] : memref<6x32x128xf32, #tpu.memory_space<vmem>> -> memref<1x32x128xf32, #tpu.memory_space<vmem>>
      %dma_wait3A_373 = tpu.memref_squeeze %dma_wait3A_372 : memref<1x32x128xf32, #tpu.memory_space<vmem>> -> memref<32x128xf32, #tpu.memory_space<vmem>>
      %dma_wait3A_374 = arith.constant 0 : i32
      %dma_wait3A_375 = arith.constant 0 : i32
      %dma_wait3A_376 = tpu.memref_slice %arg3[%dma_wait3A_374, %dma_wait3A_375] : memref<32x1000000xf32, #tpu.memory_space<hbm>> -> memref<32x128xf32, #tpu.memory_space<hbm>>
      tpu.wait_dma2 semaphore(%arg13 : memref<!tpu.dma_semaphore, #tpu.memory_space<semaphore_mem>>) src(%dma_wait3A_376 : memref<32x128xf32, #tpu.memory_space<hbm>>) dst(%dma_wait3A_373 : memref<32x128xf32, #tpu.memory_space<vmem>>)
      %gather3A_377 = tpu.vector_load_idx %arg9[%broadcast_in_dim3A_348, %iota3A, %broadcast_in_dim3A_344] : memref<6x32x128xf32, #tpu.memory_space<vmem>>[vector<16xi32>, vector<16xi32>, vector<16xi32>], vector<16xf32>,
      %add3A_378 = arith.constant 16 : i32
      %add3A_379 = vector.broadcast %add3A_378 : i32 to vector<16xi32>
      %add3A_380 = arith.addi %iota3A, %add3A_379 : vector<16xi32>
      %gather3A_381 = tpu.vector_load_idx %arg9[%broadcast_in_dim3A_348, %add3A_380, %broadcast_in_dim3A_344] : memref<6x32x128xf32, #tpu.memory_space<vmem>>[vector<16xi32>, vector<16xi32>, vector<16xi32>], vector<16xf32>,
      %gather3A_382 = tpu.vector_load_idx %arg10[%broadcast_in_dim3A_348, %iota3A, %broadcast_in_dim3A_347] : memref<6x32x128xf32, #tpu.memory_space<vmem>>[vector<16xi32>, vector<16xi32>, vector<16xi32>], vector<16xf32>,
      %add3A_383 = arith.constant 16 : i32
      %add3A_384 = vector.broadcast %add3A_383 : i32 to vector<16xi32>
      %add3A_385 = arith.addi %iota3A, %add3A_384 : vector<16xi32>
      %gather3A_386 = tpu.vector_load_idx %arg10[%broadcast_in_dim3A_348, %add3A_385, %broadcast_in_dim3A_347] : memref<6x32x128xf32, #tpu.memory_space<vmem>>[vector<16xi32>, vector<16xi32>, vector<16xi32>], vector<16xf32>,
      %lt3A_387 = arith.constant 506 : i32
      %lt3A_388 = arith.cmpi slt, %scan3A_331, %lt3A_387 : i32
      %convert_element_type3A_389 = arith.extui %lt3A_388 : i1 to i32
      %cond3A_390 = arith.constant 0 : i32
      %cond3A_391 = arith.cmpi ne, %convert_element_type3A_389, %cond3A_390 : i32
      scf.if %cond3A_391 {
        %add3A_398 = arith.constant 6 : i32
        %add3A_399 = arith.addi %scan3A_331, %add3A_398 : i32
        %get3A_400 = arith.index_cast %add3A_399 : i32 to index
        %get3A_401 = tpu.vector_load %arg7[%get3A_400] {strides = array<i32>} : memref<528xi32, #tpu.memory_space<vmem>>, vector<16xi32>,
        %slice3A_402 = vector.extract_strided_slice %get3A_401 {offsets = [0], sizes = [1], strides = [1]} : vector<16xi32> to vector<1xi32>
        %squeeze3A_403 = vector.extract %slice3A_402[0] : i32 from vector<1xi32>
        %get3A_404 = arith.index_cast %add3A_399 : i32 to index
        %get3A_405 = tpu.vector_load %arg8[%get3A_404] {strides = array<i32>} : memref<528xi32, #tpu.memory_space<vmem>>, vector<16xi32>,
        %slice3A_406 = vector.extract_strided_slice %get3A_405 {offsets = [0], sizes = [1], strides = [1]} : vector<16xi32> to vector<1xi32>
        %squeeze3A_407 = vector.extract %slice3A_406[0] : i32 from vector<1xi32>
        %shift_right_logical3A_408 = arith.constant 7 : i32
        %shift_right_logical3A_409 = arith.shrui %squeeze3A_403, %shift_right_logical3A_408 : i32
        %shift_left3A_410 = arith.constant 7 : i32
        %shift_left3A_411 = arith.shli %shift_right_logical3A_409, %shift_left3A_410 : i32
        %shift_right_logical3A_412 = arith.constant 7 : i32
        %shift_right_logical3A_413 = arith.shrui %squeeze3A_407, %shift_right_logical3A_412 : i32
        %shift_left3A_414 = arith.constant 7 : i32
        %shift_left3A_415 = arith.shli %shift_right_logical3A_413, %shift_left3A_414 : i32
        %multiple_of3A_416 = tpu.assume_multiple %shift_left3A_411, 128 : i32
        %dma_start3A_417 = arith.constant 0 : i32
        %dma_start3A_418 = arith.constant 0 : i32
        %dma_start3A_419 = tpu.memref_slice %arg9[%rem3A_333, %dma_start3A_417, %dma_start3A_418] : memref<6x32x128xf32, #tpu.memory_space<vmem>> -> memref<1x32x128xf32, #tpu.memory_space<vmem>>
        %dma_start3A_420 = tpu.memref_squeeze %dma_start3A_419 : memref<1x32x128xf32, #tpu.memory_space<vmem>> -> memref<32x128xf32, #tpu.memory_space<vmem>>
        %dma_start3A_421 = arith.constant 0 : i32
        %dma_start3A_422 = tpu.memref_slice %arg2[%dma_start3A_421, %multiple_of3A_416] : memref<32x1000000xf32, #tpu.memory_space<hbm>> -> memref<32x128xf32, #tpu.memory_space<hbm>>
        %dma_start3A_423 = arith.constant 0 : i32
        %dma_start3A_424 = arith.constant 0 : i32
        %dma_start3A_425 = tpu.memref_slice %arg9[%rem3A_333, %dma_start3A_423, %dma_start3A_424] : memref<6x32x128xf32, #tpu.memory_space<vmem>> -> memref<1x32x128xf32, #tpu.memory_space<vmem>>
        %dma_start3A_426 = tpu.memref_squeeze %dma_start3A_425 : memref<1x32x128xf32, #tpu.memory_space<vmem>> -> memref<32x128xf32, #tpu.memory_space<vmem>>
        %dma_start3A_427 = arith.constant 0 : i32
        %dma_start3A_428 = tpu.memref_slice %arg2[%dma_start3A_427, %multiple_of3A_416] : memref<32x1000000xf32, #tpu.memory_space<hbm>> -> memref<32x128xf32, #tpu.memory_space<hbm>>
        tpu.enqueue_dma source(%dma_start3A_428 : memref<32x128xf32, #tpu.memory_space<hbm>>) target(%dma_start3A_426 : memref<32x128xf32, #tpu.memory_space<vmem>>) target_semaphore(%arg13 : memref<!tpu.dma_semaphore, #tpu.memory_space<semaphore_mem>>)
        %multiple_of3A_429 = tpu.assume_multiple %shift_left3A_415, 128 : i32
        %dma_start3A_430 = arith.constant 0 : i32
        %dma_start3A_431 = arith.constant 0 : i32
        %dma_start3A_432 = tpu.memref_slice %arg10[%rem3A_333, %dma_start3A_430, %dma_start3A_431] : memref<6x32x128xf32, #tpu.memory_space<vmem>> -> memref<1x32x128xf32, #tpu.memory_space<vmem>>
        %dma_start3A_433 = tpu.memref_squeeze %dma_start3A_432 : memref<1x32x128xf32, #tpu.memory_space<vmem>> -> memref<32x128xf32, #tpu.memory_space<vmem>>
        %dma_start3A_434 = arith.constant 0 : i32
        %dma_start3A_435 = tpu.memref_slice %arg3[%dma_start3A_434, %multiple_of3A_429] : memref<32x1000000xf32, #tpu.memory_space<hbm>> -> memref<32x128xf32, #tpu.memory_space<hbm>>
        %dma_start3A_436 = arith.constant 0 : i32
        %dma_start3A_437 = arith.constant 0 : i32
        %dma_start3A_438 = tpu.memref_slice %arg10[%rem3A_333, %dma_start3A_436, %dma_start3A_437] : memref<6x32x128xf32, #tpu.memory_space<vmem>> -> memref<1x32x128xf32, #tpu.memory_space<vmem>>
        %dma_start3A_439 = tpu.memref_squeeze %dma_start3A_438 : memref<1x32x128xf32, #tpu.memory_space<vmem>> -> memref<32x128xf32, #tpu.memory_space<vmem>>
        %dma_start3A_440 = arith.constant 0 : i32
        %dma_start3A_441 = tpu.memref_slice %arg3[%dma_start3A_440, %multiple_of3A_429] : memref<32x1000000xf32, #tpu.memory_space<hbm>> -> memref<32x128xf32, #tpu.memory_space<hbm>>
        tpu.enqueue_dma source(%dma_start3A_441 : memref<32x128xf32, #tpu.memory_space<hbm>>) target(%dma_start3A_439 : memref<32x128xf32, #tpu.memory_space<vmem>>) target_semaphore(%arg13 : memref<!tpu.dma_semaphore, #tpu.memory_space<semaphore_mem>>)
      } else {
      }
      %mul3A_392 = arith.mulf %gather3A_377, %gather3A_382 : vector<16xf32>
      %mul3A_393 = arith.mulf %gather3A_381, %gather3A_386 : vector<16xf32>
      %add3A_394 = arith.addf %mul3A_392, %mul3A_393 : vector<16xf32>
      %swap3A_395 = arith.index_cast %scan3A_331 : i32 to index
      %swap3A_396 = arith.constant 0 : index
      %swap3A_397 = tpu.vector_load %arg11[%swap3A_395, %swap3A_396] {strides = array<i32>} : memref<512x16xf32, #tpu.memory_space<vmem>>, vector<16xf32>,
      tpu.vector_store %arg11[%swap3A_395, %swap3A_396], %add3A_394 {strides = array<i32>} : memref<512x16xf32, #tpu.memory_space<vmem>>, vector<16xf32>,
    }
    %scan3A_264 = arith.constant 512 : i32
    %iota3A_265 = tpu.iota {dimensions = array<i32: 0>} : vector<16xi32>
    %scan3A_266 = arith.constant 0 : i32
    %scan3A_267 = arith.constant 0 : i32
    %scan3A_268 = arith.constant 32 : i32
    %scan3A_269 = arith.addi %scan3A_267, %scan3A_268 : i32
    %scan3A_270 = arith.constant 2 : i32
    scf.for %scan3A_272 = %scan3A_267 to %scan3A_269 step %scan3A_270  : i32 {
      %mul3A_273 = arith.constant 16 : i32
      %mul3A_274 = arith.muli %scan3A_272, %mul3A_273 : i32
      %add3A_275 = vector.broadcast %mul3A_274 : i32 to vector<16xi32>
      %add3A_276 = arith.addi %iota3A_265, %add3A_275 : vector<16xi32>
      %broadcast_in_dim3A = arith.constant 0.000000e+00 : f32
      %broadcast_in_dim3A_277 = vector.broadcast %broadcast_in_dim3A : f32 to vector<16xf32>
      %broadcast_in_dim3A_278 = arith.constant 0 : i32
      %broadcast_in_dim3A_279 = vector.broadcast %broadcast_in_dim3A_278 : i32 to vector<16xi32>
      %gather3A = tpu.vector_load_idx %arg11[%add3A_276, %broadcast_in_dim3A_279] : memref<512x16xf32, #tpu.memory_space<vmem>>[vector<16xi32>, vector<16xi32>], vector<16xf32>,
      %add3A_280 = arith.addf %broadcast_in_dim3A_277, %gather3A : vector<16xf32>
      %broadcast_in_dim3A_281 = arith.constant 1 : i32
      %broadcast_in_dim3A_282 = vector.broadcast %broadcast_in_dim3A_281 : i32 to vector<16xi32>
      %gather3A_283 = tpu.vector_load_idx %arg11[%add3A_276, %broadcast_in_dim3A_282] : memref<512x16xf32, #tpu.memory_space<vmem>>[vector<16xi32>, vector<16xi32>], vector<16xf32>,
      %add3A_284 = arith.addf %add3A_280, %gather3A_283 : vector<16xf32>
      %broadcast_in_dim3A_285 = arith.constant 2 : i32
      %broadcast_in_dim3A_286 = vector.broadcast %broadcast_in_dim3A_285 : i32 to vector<16xi32>
      %gather3A_287 = tpu.vector_load_idx %arg11[%add3A_276, %broadcast_in_dim3A_286] : memref<512x16xf32, #tpu.memory_space<vmem>>[vector<16xi32>, vector<16xi32>], vector<16xf32>,
      %add3A_288 = arith.addf %add3A_284, %gather3A_287 : vector<16xf32>
      %broadcast_in_dim3A_289 = arith.constant 3 : i32
      %broadcast_in_dim3A_290 = vector.broadcast %broadcast_in_dim3A_289 : i32 to vector<16xi32>
      %gather3A_291 = tpu.vector_load_idx %arg11[%add3A_276, %broadcast_in_dim3A_290] : memref<512x16xf32, #tpu.memory_space<vmem>>[vector<16xi32>, vector<16xi32>], vector<16xf32>,
      %add3A_292 = arith.addf %add3A_288, %gather3A_291 : vector<16xf32>
      %broadcast_in_dim3A_293 = arith.constant 4 : i32
      %broadcast_in_dim3A_294 = vector.broadcast %broadcast_in_dim3A_293 : i32 to vector<16xi32>
      %gather3A_295 = tpu.vector_load_idx %arg11[%add3A_276, %broadcast_in_dim3A_294] : memref<512x16xf32, #tpu.memory_space<vmem>>[vector<16xi32>, vector<16xi32>], vector<16xf32>,
      %add3A_296 = arith.addf %add3A_292, %gather3A_295 : vector<16xf32>
      %broadcast_in_dim3A_297 = arith.constant 5 : i32
      %broadcast_in_dim3A_298 = vector.broadcast %broadcast_in_dim3A_297 : i32 to vector<16xi32>
      %gather3A_299 = tpu.vector_load_idx %arg11[%add3A_276, %broadcast_in_dim3A_298] : memref<512x16xf32, #tpu.memory_space<vmem>>[vector<16xi32>, vector<16xi32>], vector<16xf32>,
      %add3A_300 = arith.addf %add3A_296, %gather3A_299 : vector<16xf32>
      %broadcast_in_dim3A_301 = arith.constant 6 : i32
      %broadcast_in_dim3A_302 = vector.broadcast %broadcast_in_dim3A_301 : i32 to vector<16xi32>
      %gather3A_303 = tpu.vector_load_idx %arg11[%add3A_276, %broadcast_in_dim3A_302] : memref<512x16xf32, #tpu.memory_space<vmem>>[vector<16xi32>, vector<16xi32>], vector<16xf32>,
      %add3A_304 = arith.addf %add3A_300, %gather3A_303 : vector<16xf32>
      %broadcast_in_dim3A_305 = arith.constant 7 : i32
      %broadcast_in_dim3A_306 = vector.broadcast %broadcast_in_dim3A_305 : i32 to vector<16xi32>
      %gather3A_307 = tpu.vector_load_idx %arg11[%add3A_276, %broadcast_in_dim3A_306] : memref<512x16xf32, #tpu.memory_space<vmem>>[vector<16xi32>, vector<16xi32>], vector<16xf32>,
      %add3A_308 = arith.addf %add3A_304, %gather3A_307 : vector<16xf32>
      %broadcast_in_dim3A_309 = arith.constant 8 : i32
      %broadcast_in_dim3A_310 = vector.broadcast %broadcast_in_dim3A_309 : i32 to vector<16xi32>
      %gather3A_311 = tpu.vector_load_idx %arg11[%add3A_276, %broadcast_in_dim3A_310] : memref<512x16xf32, #tpu.memory_space<vmem>>[vector<16xi32>, vector<16xi32>], vector<16xf32>,
      %add3A_312 = arith.addf %add3A_308, %gather3A_311 : vector<16xf32>
      %broadcast_in_dim3A_313 = arith.constant 9 : i32
      %broadcast_in_dim3A_314 = vector.broadcast %broadcast_in_dim3A_313 : i32 to vector<16xi32>
      %gather3A_315 = tpu.vector_load_idx %arg11[%add3A_276, %broadcast_in_dim3A_314] : memref<512x16xf32, #tpu.memory_space<vmem>>[vector<16xi32>, vector<16xi32>], vector<16xf32>,
      %add3A_316 = arith.addf %add3A_312, %gather3A_315 : vector<16xf32>
      %broadcast_in_dim3A_317 = arith.constant 10 : i32
      %broadcast_in_dim3A_318 = vector.broadcast %broadcast_in_dim3A_317 : i32 to vector<16xi32>
      %gather3A_319 = tpu.vector_load_idx %arg11[%add3A_276, %broadcast_in_dim3A_318] : memref<512x16xf32, #tpu.memory_space<vmem>>[vector<16xi32>, vector<16xi32>], vector<16xf32>,
      %add3A_320 = arith.addf %add3A_316, %gather3A_319 : vector<16xf32>
      %broadcast_in_dim3A_321 = arith.constant 11 : i32
      %broadcast_in_dim3A_322 = vector.broadcast %broadcast_in_dim3A_321 : i32 to vector<16xi32>
      %gather3A_323 = tpu.vector_load_idx %arg11[%add3A_276, %broadcast_in_dim3A_322] : memref<512x16xf32, #tpu.memory_space<vmem>>[vector<16xi32>, vector<16xi32>], vector<16xf32>,
      %add3A_324 = arith.addf %add3A_320, %gather3A_323 : vector<16xf32>
      %broadcast_in_dim3A_325 = arith.constant 12 : i32
      %broadcast_in_dim3A_326 = vector.broadcast %broadcast_in_dim3A_325 : i32 to vector<16xi32>
      %gather3A_327 = tpu.vector_load_idx %arg11[%add3A_276, %broadcast_in_dim3A_326] : memref<512x16xf32, #tpu.memory_space<vmem>>[vector<16xi32>, vector<16xi32>], vector<16xf32>,
      %add3A_328 = arith.addf %add3A_324, %gather3A_327 : vector<16xf32>
      %broadcast_in_dim3A_329 = arith.constant 13 : i32
      %broadcast_in_dim3A_330 = vector.broadcast %broadcast_in_dim3A_329 : i32 to vector<16xi32>
      %gather3A_331 = tpu.vector_load_idx %arg11[%add3A_276, %broadcast_in_dim3A_330] : memref<512x16xf32, #tpu.memory_space<vmem>>[vector<16xi32>, vector<16xi32>], vector<16xf32>,
      %add3A_332 = arith.addf %add3A_328, %gather3A_331 : vector<16xf32>
      %broadcast_in_dim3A_333 = arith.constant 14 : i32
      %broadcast_in_dim3A_334 = vector.broadcast %broadcast_in_dim3A_333 : i32 to vector<16xi32>
      %gather3A_335 = tpu.vector_load_idx %arg11[%add3A_276, %broadcast_in_dim3A_334] : memref<512x16xf32, #tpu.memory_space<vmem>>[vector<16xi32>, vector<16xi32>], vector<16xf32>,
      %add3A_336 = arith.addf %add3A_332, %gather3A_335 : vector<16xf32>
      %broadcast_in_dim3A_337 = arith.constant 15 : i32
      %broadcast_in_dim3A_338 = vector.broadcast %broadcast_in_dim3A_337 : i32 to vector<16xi32>
      %gather3A_339 = tpu.vector_load_idx %arg11[%add3A_276, %broadcast_in_dim3A_338] : memref<512x16xf32, #tpu.memory_space<vmem>>[vector<16xi32>, vector<16xi32>], vector<16xf32>,
      %add3A_340 = arith.addf %add3A_336, %gather3A_339 : vector<16xf32>
      %neg3A = arith.constant 0.000000e+00 : f32
      %neg3A_341 = vector.broadcast %neg3A : f32 to vector<16xf32>
      %neg3A_342 = arith.subf %neg3A_341, %add3A_340 : vector<16xf32>
      %exp3A = math.exp %neg3A_342 : vector<16xf32>
      %add3A_343 = arith.constant 1.000000e+00 : f32
      %add3A_344 = vector.broadcast %add3A_343 : f32 to vector<16xf32>
      %add3A_345 = arith.addf %add3A_344, %exp3A : vector<16xf32>
      %div3A = arith.constant 1.000000e+00 : f32
      %div3A_346 = vector.broadcast %div3A : f32 to vector<16xf32>
      %div3A_347 = arith.divf %div3A_346, %add3A_345 : vector<16xf32>
      %mul3A_348 = arith.constant 16 : i32
      %mul3A_349 = arith.muli %scan3A_272, %mul3A_348 : i32
      %multiple_of3A_350 = tpu.assume_multiple %mul3A_349, 16 : i32
      %swap3A = arith.index_cast %multiple_of3A_350 : i32 to index
      %swap3A_351 = tpu.vector_load %arg12[%swap3A] {strides = array<i32>} : memref<512xf32, #tpu.memory_space<vmem>>, vector<16xf32>,
      tpu.vector_store %arg12[%swap3A], %div3A_347 {strides = array<i32>} : memref<512xf32, #tpu.memory_space<vmem>>, vector<16xf32>,
      %scan3A_352 = arith.constant 1 : i32
      %scan3A_353 = arith.addi %scan3A_272, %scan3A_352 : i32
      %mul3A_354 = arith.constant 16 : i32
      %mul3A_355 = arith.muli %scan3A_353, %mul3A_354 : i32
      %add3A_356 = vector.broadcast %mul3A_355 : i32 to vector<16xi32>
      %add3A_357 = arith.addi %iota3A_265, %add3A_356 : vector<16xi32>
      %broadcast_in_dim3A_358 = arith.constant 0.000000e+00 : f32
      %broadcast_in_dim3A_359 = vector.broadcast %broadcast_in_dim3A_358 : f32 to vector<16xf32>
      %broadcast_in_dim3A_360 = arith.constant 0 : i32
      %broadcast_in_dim3A_361 = vector.broadcast %broadcast_in_dim3A_360 : i32 to vector<16xi32>
      %gather3A_362 = tpu.vector_load_idx %arg11[%add3A_357, %broadcast_in_dim3A_361] : memref<512x16xf32, #tpu.memory_space<vmem>>[vector<16xi32>, vector<16xi32>], vector<16xf32>,
      %add3A_363 = arith.addf %broadcast_in_dim3A_359, %gather3A_362 : vector<16xf32>
      %broadcast_in_dim3A_364 = arith.constant 1 : i32
      %broadcast_in_dim3A_365 = vector.broadcast %broadcast_in_dim3A_364 : i32 to vector<16xi32>
      %gather3A_366 = tpu.vector_load_idx %arg11[%add3A_357, %broadcast_in_dim3A_365] : memref<512x16xf32, #tpu.memory_space<vmem>>[vector<16xi32>, vector<16xi32>], vector<16xf32>,
      %add3A_367 = arith.addf %add3A_363, %gather3A_366 : vector<16xf32>
      %broadcast_in_dim3A_368 = arith.constant 2 : i32
      %broadcast_in_dim3A_369 = vector.broadcast %broadcast_in_dim3A_368 : i32 to vector<16xi32>
      %gather3A_370 = tpu.vector_load_idx %arg11[%add3A_357, %broadcast_in_dim3A_369] : memref<512x16xf32, #tpu.memory_space<vmem>>[vector<16xi32>, vector<16xi32>], vector<16xf32>,
      %add3A_371 = arith.addf %add3A_367, %gather3A_370 : vector<16xf32>
      %broadcast_in_dim3A_372 = arith.constant 3 : i32
      %broadcast_in_dim3A_373 = vector.broadcast %broadcast_in_dim3A_372 : i32 to vector<16xi32>
      %gather3A_374 = tpu.vector_load_idx %arg11[%add3A_357, %broadcast_in_dim3A_373] : memref<512x16xf32, #tpu.memory_space<vmem>>[vector<16xi32>, vector<16xi32>], vector<16xf32>,
      %add3A_375 = arith.addf %add3A_371, %gather3A_374 : vector<16xf32>
      %broadcast_in_dim3A_376 = arith.constant 4 : i32
      %broadcast_in_dim3A_377 = vector.broadcast %broadcast_in_dim3A_376 : i32 to vector<16xi32>
      %gather3A_378 = tpu.vector_load_idx %arg11[%add3A_357, %broadcast_in_dim3A_377] : memref<512x16xf32, #tpu.memory_space<vmem>>[vector<16xi32>, vector<16xi32>], vector<16xf32>,
      %add3A_379 = arith.addf %add3A_375, %gather3A_378 : vector<16xf32>
      %broadcast_in_dim3A_380 = arith.constant 5 : i32
      %broadcast_in_dim3A_381 = vector.broadcast %broadcast_in_dim3A_380 : i32 to vector<16xi32>
      %gather3A_382 = tpu.vector_load_idx %arg11[%add3A_357, %broadcast_in_dim3A_381] : memref<512x16xf32, #tpu.memory_space<vmem>>[vector<16xi32>, vector<16xi32>], vector<16xf32>,
      %add3A_383 = arith.addf %add3A_379, %gather3A_382 : vector<16xf32>
      %broadcast_in_dim3A_384 = arith.constant 6 : i32
      %broadcast_in_dim3A_385 = vector.broadcast %broadcast_in_dim3A_384 : i32 to vector<16xi32>
      %gather3A_386 = tpu.vector_load_idx %arg11[%add3A_357, %broadcast_in_dim3A_385] : memref<512x16xf32, #tpu.memory_space<vmem>>[vector<16xi32>, vector<16xi32>], vector<16xf32>,
      %add3A_387 = arith.addf %add3A_383, %gather3A_386 : vector<16xf32>
      %broadcast_in_dim3A_388 = arith.constant 7 : i32
      %broadcast_in_dim3A_389 = vector.broadcast %broadcast_in_dim3A_388 : i32 to vector<16xi32>
      %gather3A_390 = tpu.vector_load_idx %arg11[%add3A_357, %broadcast_in_dim3A_389] : memref<512x16xf32, #tpu.memory_space<vmem>>[vector<16xi32>, vector<16xi32>], vector<16xf32>,
      %add3A_391 = arith.addf %add3A_387, %gather3A_390 : vector<16xf32>
      %broadcast_in_dim3A_392 = arith.constant 8 : i32
      %broadcast_in_dim3A_393 = vector.broadcast %broadcast_in_dim3A_392 : i32 to vector<16xi32>
      %gather3A_394 = tpu.vector_load_idx %arg11[%add3A_357, %broadcast_in_dim3A_393] : memref<512x16xf32, #tpu.memory_space<vmem>>[vector<16xi32>, vector<16xi32>], vector<16xf32>,
      %add3A_395 = arith.addf %add3A_391, %gather3A_394 : vector<16xf32>
      %broadcast_in_dim3A_396 = arith.constant 9 : i32
      %broadcast_in_dim3A_397 = vector.broadcast %broadcast_in_dim3A_396 : i32 to vector<16xi32>
      %gather3A_398 = tpu.vector_load_idx %arg11[%add3A_357, %broadcast_in_dim3A_397] : memref<512x16xf32, #tpu.memory_space<vmem>>[vector<16xi32>, vector<16xi32>], vector<16xf32>,
      %add3A_399 = arith.addf %add3A_395, %gather3A_398 : vector<16xf32>
      %broadcast_in_dim3A_400 = arith.constant 10 : i32
      %broadcast_in_dim3A_401 = vector.broadcast %broadcast_in_dim3A_400 : i32 to vector<16xi32>
      %gather3A_402 = tpu.vector_load_idx %arg11[%add3A_357, %broadcast_in_dim3A_401] : memref<512x16xf32, #tpu.memory_space<vmem>>[vector<16xi32>, vector<16xi32>], vector<16xf32>,
      %add3A_403 = arith.addf %add3A_399, %gather3A_402 : vector<16xf32>
      %broadcast_in_dim3A_404 = arith.constant 11 : i32
      %broadcast_in_dim3A_405 = vector.broadcast %broadcast_in_dim3A_404 : i32 to vector<16xi32>
      %gather3A_406 = tpu.vector_load_idx %arg11[%add3A_357, %broadcast_in_dim3A_405] : memref<512x16xf32, #tpu.memory_space<vmem>>[vector<16xi32>, vector<16xi32>], vector<16xf32>,
      %add3A_407 = arith.addf %add3A_403, %gather3A_406 : vector<16xf32>
      %broadcast_in_dim3A_408 = arith.constant 12 : i32
      %broadcast_in_dim3A_409 = vector.broadcast %broadcast_in_dim3A_408 : i32 to vector<16xi32>
      %gather3A_410 = tpu.vector_load_idx %arg11[%add3A_357, %broadcast_in_dim3A_409] : memref<512x16xf32, #tpu.memory_space<vmem>>[vector<16xi32>, vector<16xi32>], vector<16xf32>,
      %add3A_411 = arith.addf %add3A_407, %gather3A_410 : vector<16xf32>
      %broadcast_in_dim3A_412 = arith.constant 13 : i32
      %broadcast_in_dim3A_413 = vector.broadcast %broadcast_in_dim3A_412 : i32 to vector<16xi32>
      %gather3A_414 = tpu.vector_load_idx %arg11[%add3A_357, %broadcast_in_dim3A_413] : memref<512x16xf32, #tpu.memory_space<vmem>>[vector<16xi32>, vector<16xi32>], vector<16xf32>,
      %add3A_415 = arith.addf %add3A_411, %gather3A_414 : vector<16xf32>
      %broadcast_in_dim3A_416 = arith.constant 14 : i32
      %broadcast_in_dim3A_417 = vector.broadcast %broadcast_in_dim3A_416 : i32 to vector<16xi32>
      %gather3A_418 = tpu.vector_load_idx %arg11[%add3A_357, %broadcast_in_dim3A_417] : memref<512x16xf32, #tpu.memory_space<vmem>>[vector<16xi32>, vector<16xi32>], vector<16xf32>,
      %add3A_419 = arith.addf %add3A_415, %gather3A_418 : vector<16xf32>
      %broadcast_in_dim3A_420 = arith.constant 15 : i32
      %broadcast_in_dim3A_421 = vector.broadcast %broadcast_in_dim3A_420 : i32 to vector<16xi32>
      %gather3A_422 = tpu.vector_load_idx %arg11[%add3A_357, %broadcast_in_dim3A_421] : memref<512x16xf32, #tpu.memory_space<vmem>>[vector<16xi32>, vector<16xi32>], vector<16xf32>,
      %add3A_423 = arith.addf %add3A_419, %gather3A_422 : vector<16xf32>
      %neg3A_424 = arith.constant 0.000000e+00 : f32
      %neg3A_425 = vector.broadcast %neg3A_424 : f32 to vector<16xf32>
      %neg3A_426 = arith.subf %neg3A_425, %add3A_423 : vector<16xf32>
      %exp3A_427 = math.exp %neg3A_426 : vector<16xf32>
      %add3A_428 = arith.constant 1.000000e+00 : f32
      %add3A_429 = vector.broadcast %add3A_428 : f32 to vector<16xf32>
      %add3A_430 = arith.addf %add3A_429, %exp3A_427 : vector<16xf32>
      %div3A_431 = arith.constant 1.000000e+00 : f32
      %div3A_432 = vector.broadcast %div3A_431 : f32 to vector<16xf32>
      %div3A_433 = arith.divf %div3A_432, %add3A_430 : vector<16xf32>
      %mul3A_434 = arith.constant 16 : i32
      %mul3A_435 = arith.muli %scan3A_353, %mul3A_434 : i32
      %multiple_of3A_436 = tpu.assume_multiple %mul3A_435, 16 : i32
      %swap3A_437 = arith.index_cast %multiple_of3A_436 : i32 to index
      %swap3A_438 = tpu.vector_load %arg12[%swap3A_437] {strides = array<i32>} : memref<512xf32, #tpu.memory_space<vmem>>, vector<16xf32>,
      tpu.vector_store %arg12[%swap3A_437], %div3A_433 {strides = array<i32>} : memref<512xf32, #tpu.memory_space<vmem>>, vector<16xf32>,
    }
    %scan3A_271 = arith.constant 32 : i32
    "tpu.region"() ({
      %run_scoped3A = tpu.sem_alloc : memref<!tpu.dma_semaphore, #tpu.memory_space<semaphore_mem>>
      %dma_start3A_272 = tpu.memref_slice %arg6[%mul3A_2] : memref<16384xf32, #tpu.memory_space<hbm>> -> memref<512xf32, #tpu.memory_space<hbm>>
      %dma_start3A_273 = tpu.memref_slice %arg6[%mul3A_2] : memref<16384xf32, #tpu.memory_space<hbm>> -> memref<512xf32, #tpu.memory_space<hbm>>
      tpu.enqueue_dma source(%arg12 : memref<512xf32, #tpu.memory_space<vmem>>) target(%dma_start3A_273 : memref<512xf32, #tpu.memory_space<hbm>>) target_semaphore(%run_scoped3A : memref<!tpu.dma_semaphore, #tpu.memory_space<semaphore_mem>>)
      %dma_wait3A = tpu.memref_slice %arg6[%mul3A_2] : memref<16384xf32, #tpu.memory_space<hbm>> -> memref<512xf32, #tpu.memory_space<hbm>>
      %dma_wait3A_274 = tpu.memref_slice %arg6[%mul3A_2] : memref<16384xf32, #tpu.memory_space<hbm>> -> memref<512xf32, #tpu.memory_space<hbm>>
      tpu.wait_dma2 semaphore(%run_scoped3A : memref<!tpu.dma_semaphore, #tpu.memory_space<semaphore_mem>>) src(%arg12 : memref<512xf32, #tpu.memory_space<vmem>>) dst(%dma_wait3A_274 : memref<512xf32, #tpu.memory_space<hbm>>)
      tpu.yield
    }) : () -> ()
    return
  }
}

</mosaic_0001>

<sc_bundles>
// kernel: kernel.3.cloned.1.call-start
scs
__scs_entry_jumppad:
0x0: {  	(pc) =	sbr.rel $0x88, $3  }
0x1: {  	(tag) =	ssettag $0x0;
	lr =	simm.s32 $0x1  }
0x2: {  	[smem:$0x3F9E] =	sst lr;
	_ =	strace $0xD0000000  }
0x3: {  	_ = 	snop  }
0x4: {  	_ = 	snop  }
0x5: {  	_ = 	snop  }
0x6: {  	_ = 	snop  }
0x7: {  	_ = 	snop  }
__scs_overlays_trampoline_lowered:
0x8: {  	[smem:$0x3FAD] =	sst s0  }
0x9: {  	[smem:$0x3FAE] =	sst s1  }
0xa: {  	[smem:$0x3FAF] =	sst s2  }
0xb: {  	[smem:$0x3FB0] =	sst s3  }
0xc: {  	[smem:$0x3FB1] =	sst s4  }
0xd: {  	[smem:$0x3FB2] =	sst s5  }
0xe: {  	[smem:$0x3FB3] =	sst s6  }
0xf: {  	[smem:$0x3FB4] =	sst s7  }
0x10: {  	[smem:$0x3FB5] =	sst s8  }
0x11: {  	[smem:$0x3FB6] =	sst s9;
	s0 =	simm.s32 @!p0 $0x0  }
0x12: {  	s1 =	sld [smem:$0x3F9C];
	s0 =	simm.s32 @p0 $0x1  }
0x13: {  	[smem:$0x3FB7] =	sst s0;
	s0 =	simm.s32 @!p1 $0x0  }
0x14: {  	s2 =	sld [smem:$0x3F9B];
	s0 =	simm.s32 @p1 $0x1  }
0x15: {  	[smem:$0x3FB8] =	sst s0;
	s0 =	simm.s32 @!p2 $0x0  }
0x16: {  	s3 =	sld [smem:$0x3FDB];
	s0 =	simm.s32 @p2 $0x1  }
0x17: {  	s4 =	simm.s32 $0x1BF5;
	[smem:$0x3FBA] =	sst s0  }
0x18: {  	s0 =	sld [smem:$0x3F9D];
	_ =	swait.ge [sflag:s4], $0x0  }
0x19: {  	s7 =	sld [smem:$0x3F9E]  }
0x1a: {  	s8 =	sadd.s32 $0xFFFFE003, lr  }
0x1b: {  	s9 =	sadd.s32 $0xFFFFFEF7, lr;
	s5 =	simm.s32 $0xFFFFFFFF;
	p2 =	slt.u32 s8, $0xFFFFF086  }
0x1c: {  	p1 =	slt.u32 s9, $0xF7A;
	s5 =	simm.s32 @!p2 $0x0  }
0x1d: {  	s5 =	simm.s32 @p1 $0x1;
	p0 =	seq.s32 s7, s2  }
0x1e: {  	s7 =	smul.u32 @!p0 $0xF7A, s2;
	p2 =	seq.s32 @!p0 s5, $0x0  }
0x1f: {  	s9 =	smul.u32 $0xF7A, s1;
	s8 =	simm.s32 @!p0 $0x1BF5;
	p2 =	por !p2, p0  }
0x20: {  	[sflag:s8] =	ssyncset.s32 @!p0 $0xFFFFF086;
	s6 =	sadd.s32 @!p0 s3, s7;
	s7 =	simm.s32 @!p0 $0x108  }
0x21: {  	s3 =	sadd.s32 s3, s9;
	s6 =	sadd.s32 @!p0 $0x88, s6;
	s7 =	simm.s32 @p2 $0x1082  }
0x22: {  	[simem:s7], [sflag:s8] =	dma.local @!p0 [hbm:s6], $0xF7A  }
0x23: {  	s9 =	sor.u32 $0xD0000000, s2;
	s6 =	simm.s32 $0x108;
	_ =	swait.ge @!p0 [sflag:s8], $0x0  }
0x24: {  	s3 =	sadd.s32 $0x88, s3;
	s6 =	simm.s32 @!p1 $0x1082;
	[sflag:s4] =	ssyncset.s32 $0xFFFFF086  }
0x25: {  	[simem:s6], [sflag:s4] =	dma.local [hbm:s3], $0xF7A  }
0x26: {  	[smem:$0x3F9E] =	sst s1;
	(tag) =	ssettag s2;
	_ =	strace s9  }
0x27: {  	s1 =	sld [smem:$0x3FAE]  }
0x28: {  	s2 =	sld [smem:$0x3FAF]  }
0x29: {  	s4 =	sld [smem:$0x3FB1]  }
0x2a: {  	p0 =	seq.s32 s5, $0x0;
	s5 =	sld [smem:$0x3FB2]  }
0x2b: {  	s6 =	sld [smem:$0x3FB3]  }
0x2c: {  	s7 =	sld [smem:$0x3FB4]  }
0x2d: {  	s3 =	simm.s32 $0x108;
	s8 =	sld [smem:$0x3FB5]  }
0x2e: {  	s3 =	simm.s32 @!p0 $0x1082;
	s9 =	sld [smem:$0x3FB6]  }
0x2f: {  	lr =	sadd.s32 s0, s3;
	s0 =	sld [smem:$0x3FAD]  }
0x30: {  	s3 =	sld [smem:$0x3FB0]  }
0x31: {  	[smem:$0x3FB9] =	sst s10  }
0x32: {  	s10 =	sld [smem:$0x3FB7];
	_ =	sdelay $0x3  }
0x33: {  	p0 =	seq.s32 s10, $0x1;
	s10 =	sld [smem:$0x3FB9];
	_ =	sdelay $0x3  }
0x34: {  	[smem:$0x3FB9] =	sst s10  }
0x35: {  	s10 =	sld [smem:$0x3FB8];
	_ =	sdelay $0x3  }
0x36: {  	p1 =	seq.s32 s10, $0x1;
	s10 =	sld [smem:$0x3FB9];
	_ =	sdelay $0x3  }
0x37: {  	[smem:$0x3FB9] =	sst s10  }
0x38: {  	s10 =	sld [smem:$0x3FBA]  }
0x39: {  	_ = 	snop;
	(pc) =	sbr.ind lr, $3  }
0x3a: {  	_ = 	snop  }
0x3b: {  	_ = 	snop  }
0x3c: {  	p2 =	seq.s32 s10, $0x1;
	s10 =	sld [smem:$0x3FB9]  }
0x3d: {  	_ =	shalt  }
0x3e: {  	_ =	shalt  }
0x3f: {  	_ =	shalt  }
0x40: {  	_ =	shalt  }
0x41: {  	_ =	shalt  }
0x42: {  	_ =	shalt  }
0x43: {  	_ =	shalt  }
0x44: {  	_ =	shalt  }
0x45: {  	_ =	shalt  }
0x46: {  	_ =	shalt  }
0x47: {  	_ =	shalt  }
0x48: {  	_ =	shalt  }
0x49: {  	_ =	shalt  }
0x4a: {  	_ =	shalt  }
0x4b: {  	_ =	shalt  }
0x4c: {  	_ =	shalt  }
0x4d: {  	_ =	shalt  }
0x4e: {  	_ =	shalt  }
0x4f: {  	_ =	shalt  }
0x50: {  	_ =	shalt  }
0x51: {  	_ =	shalt  }
0x52: {  	_ =	shalt  }
0x53: {  	_ =	shalt  }
0x54: {  	_ =	shalt  }
0x55: {  	_ =	shalt  }
0x56: {  	_ =	shalt  }
0x57: {  	_ =	shalt  }
0x58: {  	_ =	shalt  }
0x59: {  	_ =	shalt  }
0x5a: {  	_ =	shalt  }
0x5b: {  	_ =	shalt  }
0x5c: {  	_ =	shalt  }
0x5d: {  	_ =	shalt  }
0x5e: {  	_ =	shalt  }
0x5f: {  	_ =	shalt  }
0x60: {  	_ =	shalt  }
0x61: {  	_ =	shalt  }
0x62: {  	_ =	shalt  }
0x63: {  	_ =	shalt  }
0x64: {  	_ =	shalt  }
0x65: {  	_ =	shalt  }
0x66: {  	_ =	shalt  }
0x67: {  	_ =	shalt  }
0x68: {  	_ =	shalt  }
0x69: {  	_ =	shalt  }
0x6a: {  	_ =	shalt  }
0x6b: {  	_ =	shalt  }
0x6c: {  	_ =	shalt  }
0x6d: {  	_ =	shalt  }
0x6e: {  	_ =	shalt  }
0x6f: {  	_ =	shalt  }
0x70: {  	_ =	shalt  }
0x71: {  	_ =	shalt  }
0x72: {  	_ =	shalt  }
0x73: {  	_ =	shalt  }
0x74: {  	_ =	shalt  }
0x75: {  	_ =	shalt  }
0x76: {  	_ =	shalt  }
0x77: {  	_ =	shalt  }
0x78: {  	_ =	shalt  }
0x79: {  	_ =	shalt  }
0x7a: {  	_ =	shalt  }
0x7b: {  	_ =	shalt  }
0x7c: {  	_ =	shalt  }
0x7d: {  	_ =	shalt  }
0x7e: {  	_ =	shalt  }
0x7f: {  	_ =	shalt  }
0x80: {  	_ =	shalt  }
0x81: {  	_ =	shalt  }
0x82: {  	_ =	shalt  }
0x83: {  	_ =	shalt  }
0x84: {  	_ =	shalt  }
0x85: {  	_ =	shalt  }
0x86: {  	_ =	shalt  }
0x87: {  	_ =	shalt  }
.Lfunc_end0:
.L_simem_size_0:
called_computation_lowered:
.L_overlay_start_0:
0x88: {  	s2 =	sld [smem:$0x3FD9]  }
0x89: {  	s3 =	sld [smem:$0x3FFE];
	_ =	sdelay $0x1  }
0x8a: {  	s1 =	srdreg.scid  }
0x8b: {  	s0 =	sand.u32 $0x1, s1  }
0x8c: {  	s17 =	sshll.u32 s0, $0xA;
	s2 =	sadd.s32 s3, s2  }
0x8d: {  	s2 =	sadd.s32 s2, s17  }
0x8e: {  	[smem:$0x3FC5] =	sst s2  }
0x8f: {  	_ = 	snop  }
0x90: {  	s2 =	sld [smem:$0x3FC8]  }
0x91: {  	s18 =	sld [smem:$0x3FC7]  }
0x92: {  	s4 =	sld [smem:$0x3FD0];
	(tm) =	ssettm $0x1  }
0x93: {  	s5 =	sld [smem:$0x3FFB];
	_ =	sdelay $0x3  }
0x94: {  	_ =	strace s5  }
0x95: {  	s5 =	sld [smem:$0x3FFC];
	_ =	sdelay $0x3  }
0x96: {  	_ =	strace s5  }
0x97: {  	s5 =	sld [smem:$0x3FFD];
	_ =	sdelay $0x3  }
0x98: {  	_ =	strace s5  }
0x99: {  	_ =	strace $0x8FFFFFFF  }
0x9a: {  	s19 =	sld [smem:$0x3FDB];
	_ =	sdelay $0x1  }
0x9b: {  	s6 =	simm.s32 $_scs_section_size  }
0x9c: {  	s7 =	simm.s32 $_size__tile_overlayer_lowered;
	s8 =	simm.s32 $_tile_overlayer_lowered  }
0x9d: {  	s22 =	simm.s32 $0x1BFF;
	s21 =	sshll.u32 s8, $0x1;
	s5 =	sadd.s32 s6, s19  }
0x9e: {  	s9 =	simm.s32 $0x0;
	s20 =	sshll.u32 s7, $0x1;
	s7 =	sadd.s32 s21, s5  }
0x9f: {  	[timem:s9], [sflag:s22] =	dma.local [hbm:s7], s20  }
0xa0: {  	_ =	swait.ge [sflag:s22], s20  }
0xa1: {  	s6 =	ssub.s32 $0x0, s20;
	[sflag:s22] =	ssyncset.done $0x0  }
0xa2: {  	[sflag:s22] =	ssyncadd.s32 s6;
	_ =	sdelay $0x1  }
0xa3: {  	s23 =	simm.s32 $0x1B8B  }
0xa4: {  	_ =	swait.ge [sflag:s23], $0x1  }
0xa5: {  	[sflag:s23] =	ssyncset.done $0x0  }
0xa6: {  	s25 =	simm.s32 $0x1B8E;
	s24 =	sld [smem:$0x3FFE];
	[sflag:s23] =	ssyncadd.s32 $0xFFFFFFFF  }
0xa7: {  	s26 =	simm.s32 $execute0_lowered;
	[smem:$0x3FD2] =	sst s25  }
0xa8: {  	s7 =	sshll.u32 s26, $0x1;
	_ =	strace $0x80000046;
	[dreg:$0x1] =	wrdreg $0xFFFFFFFF  }
0xa9: {  	s28 =	simm.s32 $_size_execute0_lowered;
	s5 =	sadd.s32 s5, s7;
	[dreg:$0x0] =	wrdreg $0x0  }
0xaa: {  	s7 =	sshll.u32 s28, $0x1;
	[dreg:$0x2] =	wrdreg s5  }
0xab: {  	[dreg:$0x3] =	wrdreg s7  }
0xac: {  	[dreg:$0x4] =	wrdreg $0xC0  }
0xad: {  	_ =	task [dreg:s9], $0x5FFFF  }
0xae: {  	[dreg:$0x1] =	wrdreg $0xFFFFFFFF  }
0xaf: {  	[dreg:$0x0] =	wrdreg $0x60  }
0xb0: {  	[dreg:$0x2] =	wrdreg s2  }
0xb1: {  	[dreg:$0x3] =	wrdreg s18  }
0xb2: {  	[dreg:$0x4] =	wrdreg s24  }
0xb3: {  	[dreg:$0x5] =	wrdreg s4  }
0xb4: {  	[dreg:$0x6] =	wrdreg $0x9  }
0xb5: {  	_ =	task.clear_ibuf [dreg:s9], $0x7FFFF;
	_ =	strace $0x90000046  }
0xb6: {  	s29 =	simm.s32 $0x9;
	_ =	strace $0x80000048  }
0xb7: {  	_ =	swait.ge [sflag:s29], $0x1  }
0xb8: {  	[sflag:s29] =	ssyncadd.s32 $0xFFFFFFFF  }
0xb9: {  	_ =	strace $0x90000048  }
0xba: {  	_ =	sfence  }
0xbb: {  	s30 =	sld [smem:$0x0];
	_ =	sdelay $0x2  }
0xbc: {  	s31 =	sshll.u32 s1, $0xD;
	s1 =	sshrl.u32 s1, $0x2  }
0xbd: {  	s3 =	sand.u32 $0x4000, s31;
	s1 =	sadd.s32 s1, s30  }
0xbe: {  	s0 =	sor.u32 s3, s0;
	s1 =	sshll.u32 s1, $0x11  }
0xbf: {  	s0 =	sor.u32 s1, s0  }
0xc0: {  	s0 =	sadd.s32 $0x8F2B, s0  }
0xc1: {  	[sflag:s0] =	ssyncadd.remote.s32 $0x1  }
0xc2: {  	_ =	sfence.sel $0xFFFF  }
0xc3: {  	[dreg:$0x0] =	wrdreg $0xFFFFFFFF;
	(pc) =	sbr.abs _section_cstart, $3  }
0xc4: {  	[dreg:$0x1] =	wrdreg $0xFFFFFFFF  }
0xc5: {  	_ =	task.clear_ibuf [dreg:s9], $0x2FFFF;
	_ =	strace $0x9FFFFFFF  }
0xc6: {  	(tm) =	ssettm $0x7FFFFFFF  }
0xc7: {  	_ =	shalt  }
tec
execute0_lowered:
.L_overlay_start_1:
0x0: {  	(tag) =	ssettag $0x1  }
0x1: {  	s0 =	rddreg [dreg:$0x0]  }
0x2: {  	s3 =	rddreg [dreg:$0x1]  }
0x3: {  	s1 =	rddreg [dreg:$0x2];
	s2 =	srdreg.scid  }
0x4: {  	s7 =	rddreg [dreg:$0x3];
	s9 =	stileid.u32  }
0x5: {  	s4 =	simm.s32 $0x0;
	s10 =	simm.s32 $0x400;
	s11 =	simm.s32 $0x2  }
0x6: {  	s13 =	simm.s32 $0x7A1400;
	s14 =	simm.s32 $0x500;
	s15 =	simm.s32 $0x6500  }
0x7: {  	s26 =	simm.s32 $0x1;
	s28 =	simm.s32 $0xC500;
	s2 =	sand.u32 $0x1, s2  }
0x8: {  	s30 =	simm.s32 $0x0;
	s6 =	sshll.u32 s9, $0x6;
	s5 =	sshll.u32 s2, $0xA  }
0x9: {  	s29 =	sshll.u32 s9, $0x4;
	[smem:$0x7FF] =	sst s4;
	s8 =	sor.u32 s6, s5  }
0xa: {  	v0 =	vlaneseq.u32;
	s2 =	ssub.s32 $0x2, s2;
	s5 =	sand.u32 $0x70, s29;
	s6 =	sand.u32 $0x600, s8  }
0xb: {  	s9 =	simm.s32 $0x80;
	v0 =	vmul.u32 $0x80, v0;
	s31 =	sshrl.u32 s2, $0x1;
	s5 =	sor.u32 s5, s6  }
0xc: {  	_ =	strace $0x80000047;
	s2 =	ssub.s32 s2, s31;
	s5 =	sadd.s32 s1, s5  }
0xd: {  	v1 =	vor.u32 $0x800, v0;
	s7 =	sadd.s32 s7, s8;
	s8 =	smax.u32 s2, $0x1;
	s6 =	sadd.s32 $0x800, s5  }
.LBB2_1:
0xe: {  	[tilespmem:s4], [sflag:$0x2] =	stream.strided.gather [hbm4b:s6+s9], $0x200, s10, s9, $0x38;
	[tilespmem:$0x1C700] =	vst v63  }
0xf: {  	_ =	swait.ge [sflag:s11], $0x200  }
0x10: {  	[sflag:s11] =	ssyncset.done $0x0  }
0x11: {  	s1 =	simm.s32 $0x280;
	[sflag:s11] =	ssyncadd.s32 $0xFFFFFE00  }
0x12: {  	[tilespmem:s1], [sflag:$0x2] =	stream.strided.gather [hbm4b:s5+s9], $0x200, s10, s9, $0x38;
	[tilespmem:$0x1C700] =	vst v63  }
0x13: {  	_ =	swait.ge [sflag:s11], $0x200  }
0x14: {  	[sflag:s11] =	ssyncset.done $0x0  }
0x15: {  	[sflag:s11] =	ssyncadd.s32 $0xFFFFFE00  }
0x16: {  	v2 =	vld [tilespmem:$0x0];
	_ =	sdelay $0x1  }
0x17: {  	v3 =	vld [tilespmem:$0x280];
	_ =	sdelay $0x2  }
0x18: {  	(v2sf) =	vpush v2, $0x0;
	_ =	sdelay $0x1  }
0x19: {  	(v2sf) =	vpush v3, $0x0;
	_ =	sdelay $0xc  }
0x1a: {  	s25 =	spop (v2sf)  }
0x1b: {  	s1 =	sand.u32 $0xFFFFF80, s25  }
0x1c: {  	s29 =	spop (v2sf);
	s1 =	sadd.s32 s0, s1  }
0x1d: {  	[tilespmem:s14], [sflag:$0x1] =	stream.strided.gather [hbm4b:s1+s10], $0x1000, s13, s10, $0x38;
	[tilespmem:$0x1C700] =	vst v63  }
0x1e: {  	s1 =	sand.u32 $0xFFFFF80, s29  }
0x1f: {  	s1 =	sadd.s32 s3, s1  }
0x20: {  	[tilespmem:s15], [sflag:$0x1] =	stream.strided.gather [hbm4b:s1+s10], $0x1000, s13, s10, $0x38;
	[tilespmem:$0x1C700] =	vst v63  }
0x21: {  	v2 =	vld [tilespmem:$0x1];
	_ =	sdelay $0x1  }
0x22: {  	v3 =	vld [tilespmem:$0x281];
	_ =	sdelay $0x2  }
0x23: {  	(v2sf) =	vpush v2, $0x0;
	_ =	sdelay $0x1  }
0x24: {  	(v2sf) =	vpush v3, $0x0;
	_ =	sdelay $0xc  }
0x25: {  	s2 =	spop (v2sf)  }
0x26: {  	s1 =	sand.u32 $0xFFFFF80, s2  }
0x27: {  	s2 =	simm.s32 $0x1500;
	s12 =	spop (v2sf);
	s1 =	sadd.s32 s0, s1  }
0x28: {  	[tilespmem:s2], [sflag:$0x1] =	stream.strided.gather [hbm4b:s1+s10], $0x1000, s13, s10, $0x38;
	[tilespmem:$0x1C700] =	vst v63  }
0x29: {  	s1 =	sand.u32 $0xFFFFF80, s12  }
0x2a: {  	s16 =	simm.s32 $0x7500;
	s1 =	sadd.s32 s3, s1  }
0x2b: {  	[tilespmem:s16], [sflag:$0x1] =	stream.strided.gather [hbm4b:s1+s10], $0x1000, s13, s10, $0x38;
	[tilespmem:$0x1C700] =	vst v63  }
0x2c: {  	v2 =	vld [tilespmem:$0x2];
	_ =	sdelay $0x1  }
0x2d: {  	v3 =	vld [tilespmem:$0x282];
	_ =	sdelay $0x2  }
0x2e: {  	(v2sf) =	vpush v2, $0x0;
	_ =	sdelay $0x1  }
0x2f: {  	(v2sf) =	vpush v3, $0x0;
	_ =	sdelay $0xc  }
0x30: {  	s17 =	spop (v2sf)  }
0x31: {  	s1 =	sand.u32 $0xFFFFF80, s17  }
0x32: {  	s18 =	simm.s32 $0x2500;
	s19 =	spop (v2sf);
	s1 =	sadd.s32 s0, s1  }
0x33: {  	[tilespmem:s18], [sflag:$0x1] =	stream.strided.gather [hbm4b:s1+s10], $0x1000, s13, s10, $0x38;
	[tilespmem:$0x1C700] =	vst v63  }
0x34: {  	s1 =	sand.u32 $0xFFFFF80, s19  }
0x35: {  	s20 =	simm.s32 $0x8500;
	s1 =	sadd.s32 s3, s1  }
0x36: {  	[tilespmem:s20], [sflag:$0x1] =	stream.strided.gather [hbm4b:s1+s10], $0x1000, s13, s10, $0x38;
	[tilespmem:$0x1C700] =	vst v63  }
0x37: {  	v2 =	vld [tilespmem:$0x3];
	_ =	sdelay $0x1  }
0x38: {  	v3 =	vld [tilespmem:$0x283];
	_ =	sdelay $0x2  }
0x39: {  	(v2sf) =	vpush v2, $0x0;
	_ =	sdelay $0x1  }
0x3a: {  	(v2sf) =	vpush v3, $0x0;
	_ =	sdelay $0xc  }
0x3b: {  	s21 =	spop (v2sf)  }
0x3c: {  	s1 =	sand.u32 $0xFFFFF80, s21  }
0x3d: {  	s22 =	simm.s32 $0x3500;
	s23 =	spop (v2sf);
	s1 =	sadd.s32 s0, s1  }
0x3e: {  	[tilespmem:s22], [sflag:$0x1] =	stream.strided.gather [hbm4b:s1+s10], $0x1000, s13, s10, $0x38;
	[tilespmem:$0x1C700] =	vst v63  }
0x3f: {  	s1 =	sand.u32 $0xFFFFF80, s23  }
0x40: {  	s24 =	simm.s32 $0x9500;
	s1 =	sadd.s32 s3, s1  }
0x41: {  	[tilespmem:s24], [sflag:$0x1] =	stream.strided.gather [hbm4b:s1+s10], $0x1000, s13, s10, $0x38;
	[tilespmem:$0x1C700] =	vst v63  }
0x42: {  	v2 =	vld [tilespmem:$0x4];
	_ =	sdelay $0x1  }
0x43: {  	v3 =	vld [tilespmem:$0x284];
	_ =	sdelay $0x2  }
0x44: {  	(v2sf) =	vpush v2, $0x0;
	_ =	sdelay $0x1  }
0x45: {  	(v2sf) =	vpush v3, $0x0;
	_ =	sdelay $0xc  }
0x46: {  	s25 =	spop (v2sf)  }
0x47: {  	s1 =	sand.u32 $0xFFFFF80, s25  }
0x48: {  	s29 =	simm.s32 $0x4500;
	s2 =	spop (v2sf);
	s1 =	sadd.s32 s0, s1  }
0x49: {  	[tilespmem:s29], [sflag:$0x1] =	stream.strided.gather [hbm4b:s1+s10], $0x1000, s13, s10, $0x38;
	[tilespmem:$0x1C700] =	vst v63  }
0x4a: {  	s1 =	sand.u32 $0xFFFFF80, s2  }
0x4b: {  	s12 =	simm.s32 $0xA500;
	s1 =	sadd.s32 s3, s1  }
0x4c: {  	[tilespmem:s12], [sflag:$0x1] =	stream.strided.gather [hbm4b:s1+s10], $0x1000, s13, s10, $0x38;
	[tilespmem:$0x1C700] =	vst v63  }
0x4d: {  	v2 =	vld [tilespmem:$0x5];
	_ =	sdelay $0x1  }
0x4e: {  	v3 =	vld [tilespmem:$0x285];
	_ =	sdelay $0x2  }
0x4f: {  	(v2sf) =	vpush v2, $0x0;
	_ =	sdelay $0x1  }
0x50: {  	(v2sf) =	vpush v3, $0x0;
	_ =	sdelay $0xc  }
0x51: {  	s16 =	spop (v2sf)  }
0x52: {  	s1 =	sand.u32 $0xFFFFF80, s16  }
0x53: {  	s17 =	simm.s32 $0x5500;
	s18 =	spop (v2sf);
	s1 =	sadd.s32 s0, s1  }
0x54: {  	[tilespmem:s17], [sflag:$0x1] =	stream.strided.gather [hbm4b:s1+s10], $0x1000, s13, s10, $0x38;
	[tilespmem:$0x1C700] =	vst v63  }
0x55: {  	s1 =	sand.u32 $0xFFFFF80, s18  }
0x56: {  	s19 =	simm.s32 $0xB500;
	s1 =	sadd.s32 s3, s1  }
0x57: {  	[tilespmem:s19], [sflag:$0x1] =	stream.strided.gather [hbm4b:s1+s10], $0x1000, s13, s10, $0x38;
	[tilespmem:$0x1C700] =	vst v63  }
0x58: {  	s1 =	simm.s32 $0x287  }
0x59: {  	s12 =	simm.s32 $0x7;
	v2 =	vld [tilespmem:s1+$0xFFFFFFF9]  }
0x5a: {  	v3 =	vld [tilespmem:s12+$0xFFFFFFF9];
	_ =	swait.ge [sflag:s26], $0x1000  }
0x5b: {  	[sflag:s26] =	ssyncset.done $0x0  }
0x5c: {  	[sflag:s26] =	ssyncadd.s32 $0xFFFFF000  }
0x5d: {  	_ =	swait.ge [sflag:s26], $0x1000  }
0x5e: {  	(v2sf) =	vpush v2, $0x0;
	_ =	sdelay $0x1  }
0x5f: {  	(v2sf) =	vpush v3, $0x0;
	_ =	sdelay $0x3  }
0x60: {  	[sflag:s26] =	ssyncset.done $0x0  }
0x61: {  	p0 =	por $0x0, $0x0;
	[sflag:s26] =	ssyncadd.s32 $0xFFFFF000  }
0x62: {  	s20 =	smul.u32 $0xAAAB, s4;
	v2 =	vld @!p0 [tilespmem:s12+$0xFFFFFFFF]  }
0x63: {  	v3 =	vld @!p0 [tilespmem:s1+$0xFFFFFFFF]  }
0x64: {  	s2 =	sshrl.u32 s20, $0x12  }
0x65: {  	s2 =	smul.u32 $0x6, s2;
	_ =	sdelay $0x1  }
0x66: {  	s2 =	ssub.s32 $0x0, s2;
	(v2sf) =	vpush @!p0 v2, $0x0  }
0x67: {  	s2 =	sand.u32 $0xFFFF, s2;
	(v2sf) =	vpush @!p0 v3, $0x0  }
0x68: {  	s16 =	sshll.u32 s2, $0xC;
	s17 =	spop (v2sf)  }
0x69: {  	v2 =	vor.u32 s16, v0;
	s17 =	sand.u32 $0x7F, s17  }
0x6a: {  	v3 =	vor.u32 s16, v1;
	s21 =	spop (v2sf);
	v4 =	vor.u32 s17, v2  }
0x6b: {  	s16 =	sand.u32 $0x7F, s21;
	v5 =	vor.u32 s17, v3  }
0x6c: {  	v2 =	vor.u32 s16, v2  }
0x6d: {  	v3 =	vor.u32 s16, v3;
	_ =	sdelay $0x1  }
0x6e: {  	v4 =	vld.idx.msk [tilespmem:v4+s15+$0x0], $0xffff  }
0x6f: {  	v5 =	vld.idx.msk [tilespmem:v5+s15+$0x0], $0xffff  }
0x70: {  	v2 =	vld.idx.msk [tilespmem:v2+s14+$0x0], $0xffff  }
0x71: {  	v3 =	vld.idx.msk [tilespmem:v3+s14+$0x0], $0xffff;
	_ =	sdelay $0x2  }
0x72: {  	s19 =	simm.s32 @!p0 $0x400;
	s16 =	sshll.u32 @!p0 s2, $0xC;
	s17 =	spop @!p0 (v2sf)  }
0x73: {  	s2 =	sor.u32 @!p0 $0x500, s16;
	s18 =	sand.u32 @!p0 $0xFFFFF80, s17;
	s20 =	spop @!p0 (v2sf)  }
0x74: {  	s17 =	simm.s32 @!p0 $0x7A1400;
	s18 =	sadd.s32 @!p0 s0, s18;
	s20 =	sand.u32 @!p0 $0xFFFFF80, s20;
	v2 =	vmul.f32 v4, v2;
	v3 =	vmul.f32 v5, v3  }
0x75: {  	[tilespmem:s2], [sflag:$0x1] =	stream.strided.gather @!p0 [hbm4b:s18+s19], $0x1000, s17, s19, $0x38;
	[tilespmem:$0x1C700] =	vst v63  }
0x76: {  	s16 =	sadd.s32 @!p0 $0x6500, s16;
	s2 =	simm.s32 $0xC580;
	s18 =	sadd.s32 @!p0 s3, s20;
	v2 =	vadd.f32 v3, v2  }
0x77: {  	[tilespmem:s16], [sflag:$0x1] =	stream.strided.gather @!p0 [hbm4b:s18+s19], $0x1000, s17, s19, $0x38;
	[tilespmem:$0x1C700] =	vst v63  }
0x78: {  	[tilespmem:s2+$0xFFFFFF80] =	vst v2  }
0x79: {  	v2 =	vld [tilespmem:s12+$0xFFFFFFFA];
	_ =	sdelay $0x1  }
0x7a: {  	v3 =	vld [tilespmem:s1+$0xFFFFFFFA];
	_ =	sdelay $0x1  }
0x7b: {  	_ =	swait.ge [sflag:s26], $0x1000  }
0x7c: {  	(v2sf) =	vpush v2, $0x0;
	_ =	sdelay $0x1  }
0x7d: {  	(v2sf) =	vpush v3, $0x0  }
0x7e: {  	[sflag:s26] =	ssyncset.done $0x0  }
0x7f: {  	[sflag:s26] =	ssyncadd.s32 $0xFFFFF000  }
0x80: {  	_ =	swait.ge [sflag:s26], $0x1000  }
0x81: {  	[sflag:s26] =	ssyncset.done $0x0  }
0x82: {  	s22 =	simm.s32 $0x1;
	[sflag:s26] =	ssyncadd.s32 $0xFFFFF000  }
0x83: {  	s23 =	smul.u32 $0xAAAB, s22;
	v2 =	vld @!p0 [tilespmem:s12+$0x0];
	_ =	sdelay $0x1  }
0x84: {  	s12 =	sshrl.u32 s23, $0x12  }
0x85: {  	v4 =	vld @!p0 [tilespmem:s1+$0x0];
	s12 =	smul.u32 $0x6, s12;
	_ =	sdelay $0x1  }
0x86: {  	s12 =	ssub.s32 $0x1, s12;
	(v2sf) =	vpush @!p0 v2, $0x0  }
0x87: {  	s12 =	sand.u32 $0xFFFF, s12  }
0x88: {  	s24 =	sshll.u32 s12, $0xC;
	s25 =	spop (v2sf)  }
0x89: {  	v2 =	vor.u32 s24, v0;
	(v2sf) =	vpush @!p0 v4, $0x0;
	s18 =	sand.u32 $0x7F, s25  }
0x8a: {  	s29 =	spop (v2sf);
	v3 =	vor.u32 s18, v2  }
0x8b: {  	s20 =	sand.u32 $0x7F, s29  }
0x8c: {  	v2 =	vor.u32 s20, v2  }
0x8d: {  	v5 =	vor.u32 s24, v1  }
0x8e: {  	v6 =	vor.u32 s18, v5  }
0x8f: {  	v7 =	vld.idx.msk [tilespmem:v3+s14+$0x0], $0xffff;
	v3 =	vor.u32 s20, v5;
	_ =	sdelay $0x1  }
0x90: {  	v5 =	vld.idx.msk [tilespmem:v2+s15+$0x0], $0xffff;
	_ =	sdelay $0x1  }
0x91: {  	s31 =	simm.s32 $0x1C510;
	s1 =	sshll.u32 @!p0 s12, $0xC;
	v2 =	vld.idx.msk [tilespmem:v6+s14+$0x0], $0xffff  }
0x92: {  	s12 =	simm.s32 $0x289;
	s23 =	sor.u32 @!p0 $0x500, s1;
	s22 =	sadd.s32 @!p0 $0x6500, s1;
	v3 =	vld.idx.msk [tilespmem:v3+s15+$0x0], $0xffff  }
0x93: {  	s1 =	simm.s32 $0x10;
	s18 =	simm.s32 $0x9;
	s16 =	spop @!p0 (v2sf)  }
0x94: {  	s20 =	simm.s32 $0x2;
	s21 =	sand.u32 @!p0 $0xFFFFF80, s16;
	s16 =	simm.s32 $0xC680;
	v4 =	vmul.f32 v5, v7  }
.LBB2_2:
0x95: {  	s25 =	sadd.s32 @!p0 s0, s21  }
0x96: {  	s29 =	spop @!p0 (v2sf);
	s21 =	smov.u32 s20;
	s24 =	sadd.s32 $0x2, s20  }
0x97: {  	v2 =	vmul.f32 v3, v2;
	[tilespmem:s23], [sflag:$0x1] =	stream.strided.gather @!p0 [hbm4b:s25+s19], $0x1000, s17, s19, $0x38;
	[tilespmem:$0x1C700] =	vst v63  }
0x98: {  	p1 =	slt.u32 s20, $0x1FE;
	s20 =	sand.u32 @!p0 $0xFFFFF80, s29  }
0x99: {  	s20 =	sadd.s32 @!p0 s3, s20;
	v2 =	vadd.f32 v2, v4  }
0x9a: {  	[tilespmem:s22], [sflag:$0x1] =	stream.strided.gather @!p0 [hbm4b:s20+s19], $0x1000, s17, s19, $0x38;
	[tilespmem:$0x1C700] =	vst v63  }
0x9b: {  	[tilespmem:s2+$0x0] =	vst v2;
	s2 =	smov.u32 s16  }
0x9c: {  	v2 =	vld [tilespmem:s12+$0xFFFFFFF9]  }
0x9d: {  	v3 =	vld [tilespmem:s18+$0xFFFFFFF9]  }
0x9e: {  	_ =	swait.ge [sflag:s26], $0x1000  }
0x9f: {  	[sflag:s26] =	ssyncset.done $0x0  }
0xa0: {  	[sflag:s26] =	ssyncadd.s32 $0xFFFFF000  }
0xa1: {  	_ =	swait.ge [sflag:s26], $0x1000  }
0xa2: {  	(v2sf) =	vpush v2, $0x0  }
0xa3: {  	[sflag:s26] =	ssyncset.done $0x0;
	(v2sf) =	vpush v3, $0x0  }
0xa4: {  	p0 =	sgt.u32 s21, $0x1F9;
	[sflag:s26] =	ssyncadd.s32 $0xFFFFF000  }
0xa5: {  	v2 =	vld @!p0 [tilespmem:s18+$0xFFFFFFFF]  }
0xa6: {  	v3 =	vld @!p0 [tilespmem:s12+$0xFFFFFFFF];
	_ =	sdelay $0x3  }
0xa7: {  	s17 =	smul.u32 $0xAAAB, s21;
	(v2sf) =	vpush @!p0 v2, $0x0  }
0xa8: {  	(v2sf) =	vpush @!p0 v3, $0x0  }
0xa9: {  	s17 =	sshrl.u32 s17, $0x12  }
0xaa: {  	s17 =	smul.u32 $0x6, s17;
	_ =	sdelay $0x1  }
0xab: {  	s17 =	ssub.s32 s21, s17  }
0xac: {  	s17 =	sand.u32 $0xFFFF, s17  }
0xad: {  	s19 =	sshll.u32 s17, $0xC;
	s17 =	sshll.u32 @!p0 s17, $0xC;
	s20 =	spop (v2sf)  }
0xae: {  	s22 =	sor.u32 @!p0 $0x500, s17;
	v2 =	vor.u32 s19, v0;
	v3 =	vor.u32 s19, v1;
	s20 =	sand.u32 $0x7F, s20;
	s19 =	spop (v2sf)  }
0xaf: {  	s19 =	sand.u32 $0x7F, s19;
	v4 =	vor.u32 s20, v2;
	v5 =	vor.u32 s20, v3;
	s20 =	sadd.s32 @!p0 $0x6500, s17  }
0xb0: {  	v2 =	vor.u32 s19, v2;
	v3 =	vor.u32 s19, v3;
	_ =	sdelay $0x3  }
0xb1: {  	v4 =	vld.idx.msk [tilespmem:v4+s15+$0x0], $0xffff  }
0xb2: {  	v5 =	vld.idx.msk [tilespmem:v5+s15+$0x0], $0xffff;
	s17 =	spop @!p0 (v2sf)  }
0xb3: {  	v2 =	vld.idx.msk [tilespmem:v2+s14+$0x0], $0xffff;
	s19 =	sand.u32 @!p0 $0xFFFFF80, s17;
	s17 =	simm.s32 @!p0 $0x7A1400;
	s23 =	spop @!p0 (v2sf)  }
0xb4: {  	v3 =	vld.idx.msk [tilespmem:v3+s14+$0x0], $0xffff;
	s25 =	sadd.s32 @!p0 s0, s19;
	s19 =	simm.s32 @!p0 $0x400;
	s23 =	sand.u32 @!p0 $0xFFFFF80, s23  }
0xb5: {  	[tilespmem:s22], [sflag:$0x1] =	stream.strided.gather @!p0 [hbm4b:s25+s19], $0x1000, s17, s19, $0x38;
	[tilespmem:$0x1C700] =	vst v63  }
0xb6: {  	s22 =	sadd.s32 @!p0 s3, s23  }
0xb7: {  	[tilespmem:s20], [sflag:$0x1] =	stream.strided.gather @!p0 [hbm4b:s22+s19], $0x1000, s17, s19, $0x38;
	[tilespmem:$0x1C700] =	vst v63  }
0xb8: {  	_ = 	snop  }
0xb9: {  	v2 =	vmul.f32 v4, v2  }
0xba: {  	v3 =	vmul.f32 v5, v3;
	_ =	sdelay $0x1  }
0xbb: {  	v2 =	vadd.f32 v3, v2;
	_ =	sdelay $0x1  }
0xbc: {  	[tilespmem:s16+$0xFFFFFF80] =	vst v2  }
0xbd: {  	v2 =	vld [tilespmem:s18+$0xFFFFFFFA]  }
0xbe: {  	v3 =	vld [tilespmem:s12+$0xFFFFFFFA]  }
0xbf: {  	_ =	swait.ge [sflag:s26], $0x1000  }
0xc0: {  	[sflag:s26] =	ssyncset.done $0x0  }
0xc1: {  	[sflag:s26] =	ssyncadd.s32 $0xFFFFF000  }
0xc2: {  	(v2sf) =	vpush v2, $0x0  }
0xc3: {  	(v2sf) =	vpush v3, $0x0;
	_ =	sdelay $0x3  }
0xc4: {  	_ =	swait.ge [sflag:s26], $0x1000  }
0xc5: {  	[sflag:s26] =	ssyncset.done $0x0  }
0xc6: {  	s20 =	sadd.s32 $0x1, s21;
	[sflag:s26] =	ssyncadd.s32 $0xFFFFF000  }
0xc7: {  	s21 =	smul.u32 $0xAAAB, s20;
	v2 =	vld @!p0 [tilespmem:s18+$0x0];
	_ =	sdelay $0x1  }
0xc8: {  	s21 =	sshrl.u32 s21, $0x12;
	v3 =	vld @!p0 [tilespmem:s12+$0x0]  }
0xc9: {  	s21 =	smul.u32 $0x6, s21;
	_ =	sdelay $0x1  }
0xca: {  	s20 =	ssub.s32 s20, s21;
	(v2sf) =	vpush @!p0 v2, $0x0  }
0xcb: {  	s20 =	sand.u32 $0xFFFF, s20  }
0xcc: {  	s21 =	sshll.u32 s20, $0xC;
	s20 =	sshll.u32 @!p0 s20, $0xC;
	s22 =	spop (v2sf);
	(v2sf) =	vpush @!p0 v3, $0x0  }
0xcd: {  	s23 =	sor.u32 @!p0 $0x500, s20;
	v2 =	vor.u32 s21, v0;
	v3 =	vor.u32 s21, v1;
	s22 =	sand.u32 $0x7F, s22;
	s21 =	spop (v2sf)  }
0xce: {  	s21 =	sand.u32 $0x7F, s21;
	v4 =	vor.u32 s22, v2;
	v5 =	vor.u32 s22, v3;
	s22 =	sadd.s32 @!p0 $0x6500, s20  }
0xcf: {  	v2 =	vor.u32 s21, v2;
	v3 =	vor.u32 s21, v3;
	_ =	sdelay $0x3  }
0xd0: {  	v4 =	vld.idx.msk [tilespmem:v4+s14+$0x0], $0xffff  }
0xd1: {  	v6 =	vld.idx.msk [tilespmem:v2+s15+$0x0], $0xffff  }
0xd2: {  	v2 =	vld.idx.msk [tilespmem:v5+s14+$0x0], $0xffff  }
.Ltmp0:
0xd3: {  	v3 =	vld.idx.msk [tilespmem:v3+s15+$0x0], $0xffff;
	(pc) =	sbr.rel @p1 .LBB2_2-.Ltmp0, $3  }
0xd4: {  	_ =	sdelay $0x1  }
0xd5: {  	s16 =	sadd.s32 $0x100, s16;
	s12 =	sadd.s32 $0x2, s12;
	s20 =	spop @!p0 (v2sf)  }
0xd6: {  	s18 =	sadd.s32 $0x2, s18;
	v4 =	vmul.f32 v6, v4;
	s21 =	sand.u32 @!p0 $0xFFFFF80, s20;
	s20 =	smov.u32 s24  }
0xd7: {  	s12 =	simm.s32 $0x0  }
0xd8: {  	v5 =	vmov s12  }
0xd9: {  	s16 =	spop @!p0 (v2sf);
	s12 =	sadd.s32 @!p0 s0, s21;
	v5 =	vshll.u32 v5, $0x7  }
0xda: {  	v2 =	vmul.f32 v3, v2;
	[tilespmem:s23], [sflag:$0x1] =	stream.strided.gather @!p0 [hbm4b:s12+s19], $0x1000, s17, s19, $0x38;
	v3 =	vor.u32 v0, v5;
	[tilespmem:$0x1C700] =	vst v63  }
0xdb: {  	s12 =	sand.u32 @!p0 $0xFFFFF80, s16  }
0xdc: {  	v2 =	vadd.f32 v2, v4;
	s12 =	sadd.s32 @!p0 s3, s12;
	v19 =	vor.u32 $0x1, v3  }
0xdd: {  	[tilespmem:s22], [sflag:$0x1] =	stream.strided.gather @!p0 [hbm4b:s12+s19], $0x1000, s17, s19, $0x38;
	[tilespmem:$0x1C700] =	vst v63  }
0xde: {  	[tilespmem:s2+$0x0] =	vst v2;
	v2 =	vor.u32 $0x2, v3  }
0xdf: {  	v5 =	vld.idx.msk [tilespmem:v3+s28+$0x0], $0xffff  }
0xe0: {  	v6 =	vor.u32 $0x3, v3  }
0xe1: {  	v4 =	vld.idx.msk [tilespmem:v19+s28+$0x0], $0xffff  }
0xe2: {  	v7 =	vor.u32 $0x4, v3  }
0xe3: {  	v2 =	vld.idx.msk [tilespmem:v2+s28+$0x0], $0xffff  }
0xe4: {  	v8 =	vor.u32 $0x5, v3;
	v5 =	vadd.f32 $0.0e+00, v5  }
0xe5: {  	v6 =	vld.idx.msk [tilespmem:v6+s28+$0x0], $0xffff  }
0xe6: {  	v9 =	vor.u32 $0x6, v3;
	v4 =	vadd.f32 v4, v5  }
0xe7: {  	v20 =	vld.idx.msk [tilespmem:v7+s28+$0x0], $0xffff  }
0xe8: {  	v21 =	vor.u32 $0x7, v3;
	v2 =	vadd.f32 v2, v4  }
0xe9: {  	v22 =	vld.idx.msk [tilespmem:v8+s28+$0x0], $0xffff  }
0xea: {  	v23 =	vor.u32 $0x8, v3;
	v2 =	vadd.f32 v6, v2  }
0xeb: {  	v24 =	vld.idx.msk [tilespmem:v9+s28+$0x0], $0xffff  }
0xec: {  	v25 =	vor.u32 $0x9, v3;
	v2 =	vadd.f32 v20, v2  }
0xed: {  	v26 =	vld.idx.msk [tilespmem:v21+s28+$0x0], $0xffff  }
0xee: {  	v27 =	vor.u32 $0xA, v3;
	v2 =	vadd.f32 v22, v2  }
0xef: {  	v28 =	vld.idx.msk [tilespmem:v23+s28+$0x0], $0xffff  }
0xf0: {  	v29 =	vor.u32 $0xB, v3;
	v2 =	vadd.f32 v24, v2  }
0xf1: {  	v30 =	vld.idx.msk [tilespmem:v25+s28+$0x0], $0xffff  }
0xf2: {  	v31 =	vor.u32 $0xC, v3;
	v2 =	vadd.f32 v26, v2  }
0xf3: {  	v32 =	vld.idx.msk [tilespmem:v27+s28+$0x0], $0xffff  }
0xf4: {  	v33 =	vor.u32 $0xD, v3;
	v2 =	vadd.f32 v28, v2  }
0xf5: {  	v34 =	vld.idx.msk [tilespmem:v29+s28+$0x0], $0xffff  }
0xf6: {  	v35 =	vor.u32 $0xE, v3;
	v2 =	vadd.f32 v30, v2  }
0xf7: {  	v36 =	vld.idx.msk [tilespmem:v31+s28+$0x0], $0xffff  }
0xf8: {  	v3 =	vor.u32 $0xF, v3;
	v2 =	vadd.f32 v32, v2  }
0xf9: {  	v37 =	vld.idx.msk [tilespmem:v33+s28+$0x0], $0xffff  }
0xfa: {  	v2 =	vadd.f32 v34, v2  }
0xfb: {  	v38 =	vld.idx.msk [tilespmem:v35+s28+$0x0], $0xffff  }
0xfc: {  	v2 =	vadd.f32 v36, v2  }
0xfd: {  	v3 =	vld.idx.msk [tilespmem:v3+s28+$0x0], $0xffff  }
0xfe: {  	v2 =	vadd.f32 v37, v2;
	_ =	sdelay $0x1  }
0xff: {  	v2 =	vadd.f32 v38, v2;
	_ =	sdelay $0x1  }
0x100: {  	v2 =	vadd.f32 v3, v2;
	_ =	sdelay $0x1  }
0x101: {  	v2 =	vsub.f32 $0.0e+00, v2;
	_ =	sdelay $0x1  }
0x102: {  	v2 =	vmul.f32 $1.442695020e+00, v2;
	_ =	sdelay $0x1  }
0x103: {  	(erf) = vpow2.f32 v2;
	_ =	sdelay $0x8  }
0x104: {  	v2 =	vpop (erf)  }
0x105: {  	v2 =	vadd.f32 $1.000000000e+00, v2;
	_ =	sdelay $0x1  }
0x106: {  	(erf) = vrcp.f32 v2;
	_ =	sdelay $0x3  }
0x107: {  	v2 =	vmov s1  }
0x108: {  	v2 =	vshll.u32 v2, $0x7  }
0x109: {  	v2 =	vor.u32 v0, v2;
	_ =	sdelay $0x1  }
0x10a: {  	v3 =	vor.u32 $0x1, v2  }
0x10b: {  	v39 =	vpop (erf)  }
0x10c: {  	v40 =	vor.u32 $0x2, v2;
	[tilespmem:s31+$0xFFFFFFF0] =	vst v39  }
0x10d: {  	v4 =	vld.idx.msk [tilespmem:v2+s28+$0x0], $0xffff  }
0x10e: {  	v41 =	vor.u32 $0x3, v2  }
0x10f: {  	v3 =	vld.idx.msk [tilespmem:v3+s28+$0x0], $0xffff  }
0x110: {  	v42 =	vor.u32 $0x4, v2  }
0x111: {  	v5 =	vld.idx.msk [tilespmem:v40+s28+$0x0], $0xffff  }
0x112: {  	v43 =	vor.u32 $0x5, v2;
	v4 =	vadd.f32 $0.0e+00, v4  }
0x113: {  	v6 =	vld.idx.msk [tilespmem:v41+s28+$0x0], $0xffff  }
0x114: {  	v44 =	vor.u32 $0x6, v2;
	v3 =	vadd.f32 v3, v4  }
0x115: {  	v45 =	vld.idx.msk [tilespmem:v42+s28+$0x0], $0xffff  }
0x116: {  	v46 =	vor.u32 $0x7, v2;
	v3 =	vadd.f32 v5, v3  }
0x117: {  	v47 =	vld.idx.msk [tilespmem:v43+s28+$0x0], $0xffff  }
0x118: {  	v48 =	vor.u32 $0x8, v2;
	v3 =	vadd.f32 v6, v3  }
0x119: {  	v49 =	vld.idx.msk [tilespmem:v44+s28+$0x0], $0xffff  }
0x11a: {  	v50 =	vor.u32 $0x9, v2;
	v3 =	vadd.f32 v45, v3  }
0x11b: {  	v51 =	vld.idx.msk [tilespmem:v46+s28+$0x0], $0xffff  }
0x11c: {  	v52 =	vor.u32 $0xA, v2;
	v3 =	vadd.f32 v47, v3  }
0x11d: {  	v53 =	vld.idx.msk [tilespmem:v48+s28+$0x0], $0xffff  }
0x11e: {  	v54 =	vor.u32 $0xB, v2;
	v3 =	vadd.f32 v49, v3  }
0x11f: {  	v55 =	vld.idx.msk [tilespmem:v50+s28+$0x0], $0xffff  }
0x120: {  	v56 =	vor.u32 $0xC, v2;
	v3 =	vadd.f32 v51, v3  }
0x121: {  	v57 =	vld.idx.msk [tilespmem:v52+s28+$0x0], $0xffff  }
0x122: {  	v58 =	vor.u32 $0xD, v2;
	v3 =	vadd.f32 v53, v3  }
0x123: {  	v59 =	vld.idx.msk [tilespmem:v54+s28+$0x0], $0xffff  }
0x124: {  	v60 =	vor.u32 $0xE, v2;
	v3 =	vadd.f32 v55, v3  }
0x125: {  	v61 =	vld.idx.msk [tilespmem:v56+s28+$0x0], $0xffff  }
0x126: {  	v2 =	vor.u32 $0xF, v2;
	v3 =	vadd.f32 v57, v3  }
0x127: {  	v62 =	vld.idx.msk [tilespmem:v58+s28+$0x0], $0xffff  }
0x128: {  	v3 =	vadd.f32 v59, v3  }
0x129: {  	v63 =	vld.idx.msk [tilespmem:v60+s28+$0x0], $0xffff  }
0x12a: {  	v3 =	vadd.f32 v61, v3  }
0x12b: {  	v2 =	vld.idx.msk [tilespmem:v2+s28+$0x0], $0xffff  }
0x12c: {  	v3 =	vadd.f32 v62, v3;
	_ =	sdelay $0x1  }
0x12d: {  	v3 =	vadd.f32 v63, v3;
	_ =	sdelay $0x1  }
0x12e: {  	v2 =	vadd.f32 v2, v3;
	_ =	sdelay $0x1  }
0x12f: {  	v2 =	vsub.f32 $0.0e+00, v2;
	_ =	sdelay $0x1  }
0x130: {  	v2 =	vmul.f32 $1.442695020e+00, v2;
	_ =	sdelay $0x1  }
0x131: {  	(erf) = vpow2.f32 v2;
	_ =	sdelay $0x8  }
0x132: {  	v2 =	vpop (erf)  }
0x133: {  	v2 =	vadd.f32 $1.000000000e+00, v2;
	_ =	sdelay $0x1  }
0x134: {  	(erf) = vrcp.f32 v2;
	_ =	sdelay $0x1  }
0x135: {  	s2 =	simm.s32 $0x30;
	s1 =	simm.s32 $0x0  }
.LBB2_4:
0x136: {  	s12 =	sadd.s32 $0xFFFFFFF0, s2;
	s1 =	sadd.s32 $0x2, s1  }
0x137: {  	v2 =	vmov s12;
	p0 =	slt.u32 s1, $0x1E  }
0x138: {  	v2 =	vshll.u32 v2, $0x7  }
0x139: {  	v2 =	vor.u32 v0, v2  }
0x13a: {  	v3 =	vor.u32 $0x1, v2  }
0x13b: {  	v4 =	vor.u32 $0x2, v2  }
0x13c: {  	v5 =	vor.u32 $0x3, v2;
	v6 =	vpop (erf)  }
0x13d: {  	v7 =	vor.u32 $0x4, v2;
	[tilespmem:s31+$0x0] =	vst v6  }
0x13e: {  	v8 =	vor.u32 $0x5, v2;
	v6 =	vld.idx.msk [tilespmem:v2+s28+$0x0], $0xffff  }
0x13f: {  	v9 =	vor.u32 $0x6, v2;
	v3 =	vld.idx.msk [tilespmem:v3+s28+$0x0], $0xffff  }
0x140: {  	v10 =	vor.u32 $0x7, v2;
	v4 =	vld.idx.msk [tilespmem:v4+s28+$0x0], $0xffff  }
0x141: {  	v11 =	vor.u32 $0x8, v2;
	v5 =	vld.idx.msk [tilespmem:v5+s28+$0x0], $0xffff  }
0x142: {  	v12 =	vor.u32 $0x9, v2;
	v7 =	vld.idx.msk [tilespmem:v7+s28+$0x0], $0xffff  }
0x143: {  	v13 =	vor.u32 $0xA, v2;
	v8 =	vld.idx.msk [tilespmem:v8+s28+$0x0], $0xffff  }
0x144: {  	v14 =	vor.u32 $0xB, v2;
	v6 =	vadd.f32 $0.0e+00, v6;
	v9 =	vld.idx.msk [tilespmem:v9+s28+$0x0], $0xffff  }
0x145: {  	v15 =	vor.u32 $0xC, v2;
	v10 =	vld.idx.msk [tilespmem:v10+s28+$0x0], $0xffff  }
0x146: {  	v3 =	vadd.f32 v3, v6;
	v6 =	vld.idx.msk [tilespmem:v11+s28+$0x0], $0xffff;
	v11 =	vor.u32 $0xD, v2  }
0x147: {  	v16 =	vor.u32 $0xE, v2;
	v12 =	vld.idx.msk [tilespmem:v12+s28+$0x0], $0xffff  }
0x148: {  	v2 =	vor.u32 $0xF, v2;
	v3 =	vadd.f32 v4, v3;
	v4 =	vld.idx.msk [tilespmem:v13+s28+$0x0], $0xffff  }
0x149: {  	v13 =	vld.idx.msk [tilespmem:v14+s28+$0x0], $0xffff  }
0x14a: {  	v3 =	vadd.f32 v5, v3;
	v5 =	vld.idx.msk [tilespmem:v15+s28+$0x0], $0xffff  }
0x14b: {  	v11 =	vld.idx.msk [tilespmem:v11+s28+$0x0], $0xffff  }
0x14c: {  	v3 =	vadd.f32 v7, v3;
	v7 =	vld.idx.msk [tilespmem:v16+s28+$0x0], $0xffff  }
0x14d: {  	v2 =	vld.idx.msk [tilespmem:v2+s28+$0x0], $0xffff  }
0x14e: {  	v3 =	vadd.f32 v8, v3;
	_ =	sdelay $0x1  }
0x14f: {  	v3 =	vadd.f32 v9, v3;
	_ =	sdelay $0x1  }
0x150: {  	v3 =	vadd.f32 v10, v3;
	_ =	sdelay $0x1  }
0x151: {  	v3 =	vadd.f32 v6, v3;
	_ =	sdelay $0x1  }
0x152: {  	v3 =	vadd.f32 v12, v3;
	_ =	sdelay $0x1  }
0x153: {  	v3 =	vadd.f32 v4, v3;
	_ =	sdelay $0x1  }
0x154: {  	v3 =	vadd.f32 v13, v3;
	_ =	sdelay $0x1  }
0x155: {  	v3 =	vadd.f32 v5, v3;
	_ =	sdelay $0x1  }
0x156: {  	v3 =	vadd.f32 v11, v3;
	_ =	sdelay $0x1  }
0x157: {  	v3 =	vadd.f32 v7, v3;
	_ =	sdelay $0x1  }
0x158: {  	v2 =	vadd.f32 v2, v3;
	_ =	sdelay $0x1  }
0x159: {  	v2 =	vsub.f32 $0.0e+00, v2;
	_ =	sdelay $0x1  }
0x15a: {  	v2 =	vmul.f32 $1.442695020e+00, v2;
	_ =	sdelay $0x1  }
0x15b: {  	(erf) = vpow2.f32 v2;
	_ =	sdelay $0x8  }
0x15c: {  	v2 =	vpop (erf)  }
0x15d: {  	v2 =	vadd.f32 $1.000000000e+00, v2;
	_ =	sdelay $0x1  }
0x15e: {  	(erf) = vrcp.f32 v2;
	_ =	sdelay $0x3  }
0x15f: {  	v2 =	vmov s2  }
0x160: {  	v2 =	vshll.u32 v2, $0x7  }
0x161: {  	v2 =	vor.u32 v0, v2  }
0x162: {  	v3 =	vor.u32 $0x1, v2  }
0x163: {  	v4 =	vor.u32 $0x2, v2  }
0x164: {  	s31 =	sadd.s32 $0x20, s31;
	v5 =	vor.u32 $0x3, v2;
	v6 =	vpop (erf)  }
0x165: {  	[tilespmem:s31+$0xFFFFFFF0] =	vst v6;
	v6 =	vor.u32 $0x4, v2  }
0x166: {  	v8 =	vor.u32 $0x5, v2;
	v7 =	vld.idx.msk [tilespmem:v2+s28+$0x0], $0xffff  }
0x167: {  	v9 =	vor.u32 $0x6, v2;
	v3 =	vld.idx.msk [tilespmem:v3+s28+$0x0], $0xffff  }
0x168: {  	v10 =	vor.u32 $0x7, v2;
	v4 =	vld.idx.msk [tilespmem:v4+s28+$0x0], $0xffff  }
0x169: {  	v11 =	vor.u32 $0x8, v2;
	v5 =	vld.idx.msk [tilespmem:v5+s28+$0x0], $0xffff  }
0x16a: {  	v12 =	vor.u32 $0x9, v2;
	v6 =	vld.idx.msk [tilespmem:v6+s28+$0x0], $0xffff  }
0x16b: {  	v13 =	vor.u32 $0xA, v2;
	v8 =	vld.idx.msk [tilespmem:v8+s28+$0x0], $0xffff  }
0x16c: {  	v14 =	vor.u32 $0xB, v2;
	v7 =	vadd.f32 $0.0e+00, v7;
	v9 =	vld.idx.msk [tilespmem:v9+s28+$0x0], $0xffff  }
0x16d: {  	v15 =	vor.u32 $0xC, v2;
	v10 =	vld.idx.msk [tilespmem:v10+s28+$0x0], $0xffff  }
0x16e: {  	v3 =	vadd.f32 v3, v7;
	v7 =	vld.idx.msk [tilespmem:v11+s28+$0x0], $0xffff;
	v11 =	vor.u32 $0xD, v2  }
0x16f: {  	v16 =	vor.u32 $0xE, v2;
	v12 =	vld.idx.msk [tilespmem:v12+s28+$0x0], $0xffff  }
0x170: {  	v2 =	vor.u32 $0xF, v2;
	v3 =	vadd.f32 v4, v3;
	v4 =	vld.idx.msk [tilespmem:v13+s28+$0x0], $0xffff  }
0x171: {  	v13 =	vld.idx.msk [tilespmem:v14+s28+$0x0], $0xffff  }
0x172: {  	v3 =	vadd.f32 v5, v3;
	v5 =	vld.idx.msk [tilespmem:v15+s28+$0x0], $0xffff  }
0x173: {  	v11 =	vld.idx.msk [tilespmem:v11+s28+$0x0], $0xffff  }
0x174: {  	v3 =	vadd.f32 v6, v3;
	v6 =	vld.idx.msk [tilespmem:v16+s28+$0x0], $0xffff  }
0x175: {  	v2 =	vld.idx.msk [tilespmem:v2+s28+$0x0], $0xffff  }
0x176: {  	v3 =	vadd.f32 v8, v3;
	_ =	sdelay $0x1  }
0x177: {  	v3 =	vadd.f32 v9, v3;
	_ =	sdelay $0x1  }
0x178: {  	v3 =	vadd.f32 v10, v3;
	_ =	sdelay $0x1  }
0x179: {  	v3 =	vadd.f32 v7, v3;
	_ =	sdelay $0x1  }
0x17a: {  	v3 =	vadd.f32 v12, v3;
	_ =	sdelay $0x1  }
0x17b: {  	v3 =	vadd.f32 v4, v3;
	_ =	sdelay $0x1  }
0x17c: {  	v3 =	vadd.f32 v13, v3;
	_ =	sdelay $0x1  }
0x17d: {  	v3 =	vadd.f32 v5, v3;
	_ =	sdelay $0x1  }
0x17e: {  	v3 =	vadd.f32 v11, v3;
	_ =	sdelay $0x1  }
0x17f: {  	v3 =	vadd.f32 v6, v3;
	_ =	sdelay $0x1  }
0x180: {  	v2 =	vadd.f32 v2, v3;
	_ =	sdelay $0x1  }
0x181: {  	v2 =	vsub.f32 $0.0e+00, v2;
	_ =	sdelay $0x1  }
0x182: {  	v2 =	vmul.f32 $1.442695020e+00, v2;
	_ =	sdelay $0x1  }
0x183: {  	(erf) = vpow2.f32 v2;
	_ =	sdelay $0x8  }
0x184: {  	v2 =	vpop (erf)  }
.Ltmp1:
0x185: {  	v2 =	vadd.f32 $1.000000000e+00, v2;
	(pc) =	sbr.rel @p0 .LBB2_4-.Ltmp1, $3  }
0x186: {  	_ = 	snop  }
0x187: {  	(erf) = vrcp.f32 v2;
	_ =	sdelay $0x1  }
0x188: {  	s2 =	sadd.s32 $0x20, s2  }
0x189: {  	_ =	sdelay $0x4  }
0x18a: {  	s30 =	sadd.s32 $0x1, s30  }
0x18b: {  	p0 =	sne.s32 s30, s8;
	v2 =	vpop (erf)  }
.Ltmp2:
0x18c: {  	s1 =	simm.s32 $0x1C500;
	[tilespmem:s31+$0x0] =	vst v2;
	(pc) =	sbr.rel @p0 .LBB2_1-.Ltmp2, $4  }
0x18d: {  	[hbm4b:s7+s4] =	stream.linear.scatter [tilespmem:s1], [sflag:$0x2], $0x200, $0x38;
	[tilespmem:$0x1C700] =	vst v63  }
0x18e: {  	_ =	swait.ge [sflag:s11], $0x200  }
0x18f: {  	[sflag:s11] =	ssyncset.done $0x0  }
0x190: {  	[sflag:s11] =	ssyncadd.s32 $0xFFFFFE00  }
0x191: {  	_ =	sfence.sel $0x180000  }
0x192: {  	[bflag:$0x0] =	sbarrier.arrive $0xFFFF  }
0x193: {  	_ =	strace $0x90000047  }
0x194: {  	s0 =	stileid.u32;
	[bflag:$0x2] =	sbarrier.arrive $0xFFFF  }
0x195: {  	p0 =	sne.s32 s0, $0x0;
	s0 =	rddreg [dreg:$0x4]  }
0x196: {  	s0 =	sadd.s32 @!p0 $0x100000, s0  }
0x197: {  	[sflag:s0] =	ssyncadd.tile.s32 @!p0 $0x1;
	_ =	shalt  }
.Lfunc_end2:
_tile_overlayer_lowered:
.L_overlay_start_2:
0x198: {  	(tag) =	ssettag $0x2  }
0x199: {  	s0 =	rddreg [dreg:$0x0];
	s2 =	stileid.u32  }
0x19a: {  	s1 =	rddreg [dreg:$0x1];
	p0 =	sne.s32 s2, $0x0  }
0x19b: {  	s3 =	rddreg [dreg:$0x2];
	[bflag:$0x3] =	sbarrier.arrive $0xFFFF;
	s2 =	simm.s32 @!p0 $0x1C02  }
0x19c: {  	[timem:s3], [sflag:s2] =	dma.local @!p0 [hbm:s0], s1  }
0x19d: {  	s0 =	simm.s32 @!p0 $0x2  }
0x19e: {  	_ =	swait.ge @!p0 [sflag:s0], s1  }
0x19f: {  	s1 =	ssub.s32 @!p0 $0x0, s1;
	[sflag:s0] =	ssyncset.done @!p0 $0x0  }
0x1a0: {  	[sflag:s0] =	ssyncadd.s32 @!p0 s1  }
0x1a1: {  	[bflag:$0x3] =	sbarrier.arrive $0xFFFF  }
0x1a2: {  	_ =	shalt  }

</sc_bundles>
